<compile_context>
chip_gen: v7x
topology: tpu7x:2x2x1
jax: 0.10.2.dev20260603
libtpu: 0.0.44.dev20260713+nightly
codegen_flags: <defaults>
</compile_context>

<pallas_src>
import functools

import jax
import jax.numpy as jnp
from jax import lax
from jax.experimental import pallas as pl
from jax.experimental.pallas import tpu as pltpu
from jax.experimental.pallas import tpu_sc as plsc

_B = 128
_HW = 1024
_DIM = 32
_K = 512
_N = _B * _HW

_TILES = 4
_R = _N // _TILES
_RB = _R // _HW


def _argmax_body(xt_ref, ct_ref, lab_ref):
    ct = ct_ref[...].astype(jnp.bfloat16)
    for j in range(_RB):
        x = xt_ref[j]
        nrm = jnp.maximum(
            jnp.sqrt(jnp.sum(x * x, axis=0, keepdims=True)), 1e-12)
        xn = x / nrm
        sim = lax.dot_general(ct, xn.astype(jnp.bfloat16),
                              (((0,), (0,)), ((), ())),
                              preferred_element_type=jnp.float32)
        lab = jnp.argmax(sim, axis=0)
        lab_ref[j] = lab.astype(jnp.int32)


_argmax_call = pl.pallas_call(
    _argmax_body,
    grid=(_TILES,),
    in_specs=[
        pl.BlockSpec((_RB, _DIM, _HW), lambda i: (i, 0, 0)),
        pl.BlockSpec((_DIM, _K), lambda i: (0, 0)),
    ],
    out_specs=pl.BlockSpec((_RB, _HW), lambda i: (i, 0)),
    out_shape=jax.ShapeDtypeStruct((_B, _HW), jnp.int32),
)

_NC = 2
_NS = 16
_NW = _NC * _NS
_ROWS_W = _B // _NW
_CHUNK = _ROWS_W * _HW
_L = 16


def _sc_gather_body(labels_hbm, table_hbm, out_hbm, table_v, idx_v, out_v):
    wid = lax.axis_index("s") * _NC + lax.axis_index("c")
    row0 = wid * _ROWS_W
    pltpu.sync_copy(table_hbm, table_v)
    for j in range(_ROWS_W):
        pltpu.sync_copy(labels_hbm.at[row0 + j],
                        idx_v.at[pl.ds(j * _HW, _HW)])

    @plsc.parallel_loop(0, _CHUNK, step=_L, unroll=8)
    def body(i):
        sl = pl.ds(i, _L)
        out_v[sl] = plsc.load_gather(table_v, [idx_v[sl]])
    for j in range(_ROWS_W):
        pltpu.sync_copy(out_v.at[pl.ds(j * _HW, _HW)],
                        out_hbm.at[row0 + j])


@functools.cache
def _sc_gather():
    return pl.kernel(
        _sc_gather_body,
        out_type=jax.ShapeDtypeStruct((_B, _HW), jnp.int32),
        mesh=plsc.VectorSubcoreMesh(core_axis_name="c", subcore_axis_name="s",
                                    num_cores=_NC, num_subcores=_NS),
        compiler_params=pltpu.CompilerParams(needs_layout_passes=False),
        scratch_types=[
            pltpu.VMEM((_K,), jnp.int32),
            pltpu.VMEM((_CHUNK,), jnp.int32),
            pltpu.VMEM((_CHUNK,), jnp.int32),
        ],
    )


def kernel(features, cluster_centers, pseudo_assignment):
    feats_t = jnp.swapaxes(features, 1, 2)
    centers_t = cluster_centers.T
    pseudo_segs_pred = _argmax_call(feats_t, centers_t)
    segs_pred = _sc_gather()(pseudo_segs_pred,
                             pseudo_assignment.astype(jnp.int32))
    return pseudo_segs_pred, segs_pred

# --- scband reference (transcript-rebuilt; emitter-appended) ---
"""Pipeline reference for scband-kmeans-iter-head-90778428768745 (READ-ONLY COPY).

The authoritative reference and input builder live on the scoring server;
editing this copy changes nothing except your own understanding.
"""

import jax, jax.numpy as jnp
import numpy as np

N_CLASSES = 512
GT_CLASSES = 27
DIM = 32
B = 128
HW = 1024


def setup_inputs(seed: int = 0) -> dict:
    key = jax.random.key(seed)
    k1, k2 = jax.random.split(key)
    features = jax.random.normal(k1, (B, HW, DIM), dtype=jnp.float32)
    centers = jax.random.normal(k2, (N_CLASSES, DIM), dtype=jnp.float32)
    centers = centers / jnp.clip(jnp.linalg.norm(centers, axis=1, keepdims=True), 1e-12)
    pseudo_assignment = (jnp.arange(N_CLASSES, dtype=jnp.int32) % GT_CLASSES).astype(jnp.int32)
    return {"features": features, "cluster_centers": centers, "pseudo_assignment": pseudo_assignment}


def reference(features, cluster_centers, pseudo_assignment):
    # Eval-mode forward of KMeansIterHead (centroids already initialized):
    # 1) flatten leading dims, 2) L2-normalize tokens (F.normalize p=2, eps=1e-12),
    # 3) cosine similarity vs codebook, argmax -> class labels,
    # 4) reshape and map labels through pseudo_assignment table (gather).
    fshape = features.shape
    feats = features.reshape(-1, fshape[-1])
    norms = jnp.clip(jnp.linalg.norm(feats, axis=1, keepdims=True), 1e-12)
    feats = feats / norms
    sim = feats @ cluster_centers.T  # [n, K] cosine similarities (centers unit-norm)
    class_labels = jnp.argmax(sim, axis=1).astype(jnp.int32)
    pseudo_segs_pred = class_labels.reshape(fshape[:-1])
    segs_pred = jnp.take(pseudo_assignment, pseudo_segs_pred, axis=0).astype(jnp.int32)
    return pseudo_segs_pred, segs_pred

if __name__ == "__main__":
    import jax
    _d = setup_inputs()
    print(jax.jit(kernel)(*tuple(_d.values())))

</pallas_src>

<mosaic_0001>
#map = affine_map<(d0, d1) -> (0, 0)>
#map1 = affine_map<(d0, d1) -> (0)>
module attributes {stable_mosaic.version = 14 : i64} {
  func.func @_sc_gather_body(%arg0: i32, %arg1: i32, %arg2: memref<128x1024xi32, #tpu.memory_space<hbm>>, %arg3: memref<512xi32, #tpu.memory_space<hbm>>, %arg4: memref<128x1024xi32, #tpu.memory_space<hbm>>, %arg5: memref<512xi32, #tpu.memory_space<vmem>>, %arg6: memref<4096xi32, #tpu.memory_space<vmem>>, %arg7: memref<4096xi32, #tpu.memory_space<vmem>>) attributes {dimension_semantics = [#tpu.dimension_semantics<core_parallel>, #tpu.dimension_semantics<subcore_parallel>], iteration_bounds = array<i64: 2, 16>, scalar_prefetch = 0 : i64, scratch_operands = 3 : i64, tpu.core_type = #tpu.core_type<sc_vector_subcore>, window_params = [{transform_indices = #map}, {transform_indices = #map1}, {transform_indices = #map}]} {
    %mul3A = arith.constant 2 : i32
    %mul3A_0 = arith.muli %arg1, %mul3A : i32
    %add3A = arith.addi %mul3A_0, %arg0 : i32
    %mul3A_1 = arith.constant 4 : i32
    %mul3A_2 = arith.muli %add3A, %mul3A_1 : i32
    "tpu.region"() ({
      %run_scoped3A = tpu.sem_alloc : memref<!tpu.dma_semaphore, #tpu.memory_space<semaphore_mem>>
      tpu.enqueue_dma source(%arg3 : memref<512xi32, #tpu.memory_space<hbm>>) target(%arg5 : memref<512xi32, #tpu.memory_space<vmem>>) target_semaphore(%run_scoped3A : memref<!tpu.dma_semaphore, #tpu.memory_space<semaphore_mem>>)
      tpu.wait_dma2 semaphore(%run_scoped3A : memref<!tpu.dma_semaphore, #tpu.memory_space<semaphore_mem>>) src(%arg3 : memref<512xi32, #tpu.memory_space<hbm>>) dst(%arg5 : memref<512xi32, #tpu.memory_space<vmem>>)
      tpu.yield
    }) : () -> ()
    %add3A_3 = arith.constant 0 : i32
    %add3A_4 = arith.addi %mul3A_2, %add3A_3 : i32
    "tpu.region"() ({
      %run_scoped3A = tpu.sem_alloc : memref<!tpu.dma_semaphore, #tpu.memory_space<semaphore_mem>>
      %dma_start3A = arith.constant 0 : i32
      %dma_start3A_21 = tpu.memref_slice %arg6[%dma_start3A] : memref<4096xi32, #tpu.memory_space<vmem>> -> memref<1024xi32, #tpu.memory_space<vmem>>
      %dma_start3A_22 = arith.constant 0 : i32
      %dma_start3A_23 = tpu.memref_slice %arg2[%add3A_4, %dma_start3A_22] : memref<128x1024xi32, #tpu.memory_space<hbm>> -> memref<1x1024xi32, #tpu.memory_space<hbm>>
      %dma_start3A_24 = tpu.memref_squeeze %dma_start3A_23 : memref<1x1024xi32, #tpu.memory_space<hbm>> -> memref<1024xi32, #tpu.memory_space<hbm>>
      %dma_start3A_25 = arith.constant 0 : i32
      %dma_start3A_26 = tpu.memref_slice %arg6[%dma_start3A_25] : memref<4096xi32, #tpu.memory_space<vmem>> -> memref<1024xi32, #tpu.memory_space<vmem>>
      %dma_start3A_27 = arith.constant 0 : i32
      %dma_start3A_28 = tpu.memref_slice %arg2[%add3A_4, %dma_start3A_27] : memref<128x1024xi32, #tpu.memory_space<hbm>> -> memref<1x1024xi32, #tpu.memory_space<hbm>>
      %dma_start3A_29 = tpu.memref_squeeze %dma_start3A_28 : memref<1x1024xi32, #tpu.memory_space<hbm>> -> memref<1024xi32, #tpu.memory_space<hbm>>
      tpu.enqueue_dma source(%dma_start3A_29 : memref<1024xi32, #tpu.memory_space<hbm>>) target(%dma_start3A_26 : memref<1024xi32, #tpu.memory_space<vmem>>) target_semaphore(%run_scoped3A : memref<!tpu.dma_semaphore, #tpu.memory_space<semaphore_mem>>)
      %dma_wait3A = arith.constant 0 : i32
      %dma_wait3A_30 = tpu.memref_slice %arg6[%dma_wait3A] : memref<4096xi32, #tpu.memory_space<vmem>> -> memref<1024xi32, #tpu.memory_space<vmem>>
      %dma_wait3A_31 = arith.constant 0 : i32
      %dma_wait3A_32 = tpu.memref_slice %arg2[%add3A_4, %dma_wait3A_31] : memref<128x1024xi32, #tpu.memory_space<hbm>> -> memref<1x1024xi32, #tpu.memory_space<hbm>>
      %dma_wait3A_33 = tpu.memref_squeeze %dma_wait3A_32 : memref<1x1024xi32, #tpu.memory_space<hbm>> -> memref<1024xi32, #tpu.memory_space<hbm>>
      %dma_wait3A_34 = arith.constant 0 : i32
      %dma_wait3A_35 = tpu.memref_slice %arg6[%dma_wait3A_34] : memref<4096xi32, #tpu.memory_space<vmem>> -> memref<1024xi32, #tpu.memory_space<vmem>>
      %dma_wait3A_36 = arith.constant 0 : i32
      %dma_wait3A_37 = tpu.memref_slice %arg2[%add3A_4, %dma_wait3A_36] : memref<128x1024xi32, #tpu.memory_space<hbm>> -> memref<1x1024xi32, #tpu.memory_space<hbm>>
      %dma_wait3A_38 = tpu.memref_squeeze %dma_wait3A_37 : memref<1x1024xi32, #tpu.memory_space<hbm>> -> memref<1024xi32, #tpu.memory_space<hbm>>
      tpu.wait_dma2 semaphore(%run_scoped3A : memref<!tpu.dma_semaphore, #tpu.memory_space<semaphore_mem>>) src(%dma_wait3A_38 : memref<1024xi32, #tpu.memory_space<hbm>>) dst(%dma_wait3A_35 : memref<1024xi32, #tpu.memory_space<vmem>>)
      tpu.yield
    }) : () -> ()
    %add3A_5 = arith.constant 1 : i32
    %add3A_6 = arith.addi %mul3A_2, %add3A_5 : i32
    "tpu.region"() ({
      %run_scoped3A = tpu.sem_alloc : memref<!tpu.dma_semaphore, #tpu.memory_space<semaphore_mem>>
      %dma_start3A = arith.constant 1024 : i32
      %dma_start3A_21 = tpu.memref_slice %arg6[%dma_start3A] : memref<4096xi32, #tpu.memory_space<vmem>> -> memref<1024xi32, #tpu.memory_space<vmem>>
      %dma_start3A_22 = arith.constant 0 : i32
      %dma_start3A_23 = tpu.memref_slice %arg2[%add3A_6, %dma_start3A_22] : memref<128x1024xi32, #tpu.memory_space<hbm>> -> memref<1x1024xi32, #tpu.memory_space<hbm>>
      %dma_start3A_24 = tpu.memref_squeeze %dma_start3A_23 : memref<1x1024xi32, #tpu.memory_space<hbm>> -> memref<1024xi32, #tpu.memory_space<hbm>>
      %dma_start3A_25 = arith.constant 1024 : i32
      %dma_start3A_26 = tpu.memref_slice %arg6[%dma_start3A_25] : memref<4096xi32, #tpu.memory_space<vmem>> -> memref<1024xi32, #tpu.memory_space<vmem>>
      %dma_start3A_27 = arith.constant 0 : i32
      %dma_start3A_28 = tpu.memref_slice %arg2[%add3A_6, %dma_start3A_27] : memref<128x1024xi32, #tpu.memory_space<hbm>> -> memref<1x1024xi32, #tpu.memory_space<hbm>>
      %dma_start3A_29 = tpu.memref_squeeze %dma_start3A_28 : memref<1x1024xi32, #tpu.memory_space<hbm>> -> memref<1024xi32, #tpu.memory_space<hbm>>
      tpu.enqueue_dma source(%dma_start3A_29 : memref<1024xi32, #tpu.memory_space<hbm>>) target(%dma_start3A_26 : memref<1024xi32, #tpu.memory_space<vmem>>) target_semaphore(%run_scoped3A : memref<!tpu.dma_semaphore, #tpu.memory_space<semaphore_mem>>)
      %dma_wait3A = arith.constant 1024 : i32
      %dma_wait3A_30 = tpu.memref_slice %arg6[%dma_wait3A] : memref<4096xi32, #tpu.memory_space<vmem>> -> memref<1024xi32, #tpu.memory_space<vmem>>
      %dma_wait3A_31 = arith.constant 0 : i32
      %dma_wait3A_32 = tpu.memref_slice %arg2[%add3A_6, %dma_wait3A_31] : memref<128x1024xi32, #tpu.memory_space<hbm>> -> memref<1x1024xi32, #tpu.memory_space<hbm>>
      %dma_wait3A_33 = tpu.memref_squeeze %dma_wait3A_32 : memref<1x1024xi32, #tpu.memory_space<hbm>> -> memref<1024xi32, #tpu.memory_space<hbm>>
      %dma_wait3A_34 = arith.constant 1024 : i32
      %dma_wait3A_35 = tpu.memref_slice %arg6[%dma_wait3A_34] : memref<4096xi32, #tpu.memory_space<vmem>> -> memref<1024xi32, #tpu.memory_space<vmem>>
      %dma_wait3A_36 = arith.constant 0 : i32
      %dma_wait3A_37 = tpu.memref_slice %arg2[%add3A_6, %dma_wait3A_36] : memref<128x1024xi32, #tpu.memory_space<hbm>> -> memref<1x1024xi32, #tpu.memory_space<hbm>>
      %dma_wait3A_38 = tpu.memref_squeeze %dma_wait3A_37 : memref<1x1024xi32, #tpu.memory_space<hbm>> -> memref<1024xi32, #tpu.memory_space<hbm>>
      tpu.wait_dma2 semaphore(%run_scoped3A : memref<!tpu.dma_semaphore, #tpu.memory_space<semaphore_mem>>) src(%dma_wait3A_38 : memref<1024xi32, #tpu.memory_space<hbm>>) dst(%dma_wait3A_35 : memref<1024xi32, #tpu.memory_space<vmem>>)
      tpu.yield
    }) : () -> ()
    %add3A_7 = arith.constant 2 : i32
    %add3A_8 = arith.addi %mul3A_2, %add3A_7 : i32
    "tpu.region"() ({
      %run_scoped3A = tpu.sem_alloc : memref<!tpu.dma_semaphore, #tpu.memory_space<semaphore_mem>>
      %dma_start3A = arith.constant 2048 : i32
      %dma_start3A_21 = tpu.memref_slice %arg6[%dma_start3A] : memref<4096xi32, #tpu.memory_space<vmem>> -> memref<1024xi32, #tpu.memory_space<vmem>>
      %dma_start3A_22 = arith.constant 0 : i32
      %dma_start3A_23 = tpu.memref_slice %arg2[%add3A_8, %dma_start3A_22] : memref<128x1024xi32, #tpu.memory_space<hbm>> -> memref<1x1024xi32, #tpu.memory_space<hbm>>
      %dma_start3A_24 = tpu.memref_squeeze %dma_start3A_23 : memref<1x1024xi32, #tpu.memory_space<hbm>> -> memref<1024xi32, #tpu.memory_space<hbm>>
      %dma_start3A_25 = arith.constant 2048 : i32
      %dma_start3A_26 = tpu.memref_slice %arg6[%dma_start3A_25] : memref<4096xi32, #tpu.memory_space<vmem>> -> memref<1024xi32, #tpu.memory_space<vmem>>
      %dma_start3A_27 = arith.constant 0 : i32
      %dma_start3A_28 = tpu.memref_slice %arg2[%add3A_8, %dma_start3A_27] : memref<128x1024xi32, #tpu.memory_space<hbm>> -> memref<1x1024xi32, #tpu.memory_space<hbm>>
      %dma_start3A_29 = tpu.memref_squeeze %dma_start3A_28 : memref<1x1024xi32, #tpu.memory_space<hbm>> -> memref<1024xi32, #tpu.memory_space<hbm>>
      tpu.enqueue_dma source(%dma_start3A_29 : memref<1024xi32, #tpu.memory_space<hbm>>) target(%dma_start3A_26 : memref<1024xi32, #tpu.memory_space<vmem>>) target_semaphore(%run_scoped3A : memref<!tpu.dma_semaphore, #tpu.memory_space<semaphore_mem>>)
      %dma_wait3A = arith.constant 2048 : i32
      %dma_wait3A_30 = tpu.memref_slice %arg6[%dma_wait3A] : memref<4096xi32, #tpu.memory_space<vmem>> -> memref<1024xi32, #tpu.memory_space<vmem>>
      %dma_wait3A_31 = arith.constant 0 : i32
      %dma_wait3A_32 = tpu.memref_slice %arg2[%add3A_8, %dma_wait3A_31] : memref<128x1024xi32, #tpu.memory_space<hbm>> -> memref<1x1024xi32, #tpu.memory_space<hbm>>
      %dma_wait3A_33 = tpu.memref_squeeze %dma_wait3A_32 : memref<1x1024xi32, #tpu.memory_space<hbm>> -> memref<1024xi32, #tpu.memory_space<hbm>>
      %dma_wait3A_34 = arith.constant 2048 : i32
      %dma_wait3A_35 = tpu.memref_slice %arg6[%dma_wait3A_34] : memref<4096xi32, #tpu.memory_space<vmem>> -> memref<1024xi32, #tpu.memory_space<vmem>>
      %dma_wait3A_36 = arith.constant 0 : i32
      %dma_wait3A_37 = tpu.memref_slice %arg2[%add3A_8, %dma_wait3A_36] : memref<128x1024xi32, #tpu.memory_space<hbm>> -> memref<1x1024xi32, #tpu.memory_space<hbm>>
      %dma_wait3A_38 = tpu.memref_squeeze %dma_wait3A_37 : memref<1x1024xi32, #tpu.memory_space<hbm>> -> memref<1024xi32, #tpu.memory_space<hbm>>
      tpu.wait_dma2 semaphore(%run_scoped3A : memref<!tpu.dma_semaphore, #tpu.memory_space<semaphore_mem>>) src(%dma_wait3A_38 : memref<1024xi32, #tpu.memory_space<hbm>>) dst(%dma_wait3A_35 : memref<1024xi32, #tpu.memory_space<vmem>>)
      tpu.yield
    }) : () -> ()
    %add3A_9 = arith.constant 3 : i32
    %add3A_10 = arith.addi %mul3A_2, %add3A_9 : i32
    "tpu.region"() ({
      %run_scoped3A = tpu.sem_alloc : memref<!tpu.dma_semaphore, #tpu.memory_space<semaphore_mem>>
      %dma_start3A = arith.constant 3072 : i32
      %dma_start3A_21 = tpu.memref_slice %arg6[%dma_start3A] : memref<4096xi32, #tpu.memory_space<vmem>> -> memref<1024xi32, #tpu.memory_space<vmem>>
      %dma_start3A_22 = arith.constant 0 : i32
      %dma_start3A_23 = tpu.memref_slice %arg2[%add3A_10, %dma_start3A_22] : memref<128x1024xi32, #tpu.memory_space<hbm>> -> memref<1x1024xi32, #tpu.memory_space<hbm>>
      %dma_start3A_24 = tpu.memref_squeeze %dma_start3A_23 : memref<1x1024xi32, #tpu.memory_space<hbm>> -> memref<1024xi32, #tpu.memory_space<hbm>>
      %dma_start3A_25 = arith.constant 3072 : i32
      %dma_start3A_26 = tpu.memref_slice %arg6[%dma_start3A_25] : memref<4096xi32, #tpu.memory_space<vmem>> -> memref<1024xi32, #tpu.memory_space<vmem>>
      %dma_start3A_27 = arith.constant 0 : i32
      %dma_start3A_28 = tpu.memref_slice %arg2[%add3A_10, %dma_start3A_27] : memref<128x1024xi32, #tpu.memory_space<hbm>> -> memref<1x1024xi32, #tpu.memory_space<hbm>>
      %dma_start3A_29 = tpu.memref_squeeze %dma_start3A_28 : memref<1x1024xi32, #tpu.memory_space<hbm>> -> memref<1024xi32, #tpu.memory_space<hbm>>
      tpu.enqueue_dma source(%dma_start3A_29 : memref<1024xi32, #tpu.memory_space<hbm>>) target(%dma_start3A_26 : memref<1024xi32, #tpu.memory_space<vmem>>) target_semaphore(%run_scoped3A : memref<!tpu.dma_semaphore, #tpu.memory_space<semaphore_mem>>)
      %dma_wait3A = arith.constant 3072 : i32
      %dma_wait3A_30 = tpu.memref_slice %arg6[%dma_wait3A] : memref<4096xi32, #tpu.memory_space<vmem>> -> memref<1024xi32, #tpu.memory_space<vmem>>
      %dma_wait3A_31 = arith.constant 0 : i32
      %dma_wait3A_32 = tpu.memref_slice %arg2[%add3A_10, %dma_wait3A_31] : memref<128x1024xi32, #tpu.memory_space<hbm>> -> memref<1x1024xi32, #tpu.memory_space<hbm>>
      %dma_wait3A_33 = tpu.memref_squeeze %dma_wait3A_32 : memref<1x1024xi32, #tpu.memory_space<hbm>> -> memref<1024xi32, #tpu.memory_space<hbm>>
      %dma_wait3A_34 = arith.constant 3072 : i32
      %dma_wait3A_35 = tpu.memref_slice %arg6[%dma_wait3A_34] : memref<4096xi32, #tpu.memory_space<vmem>> -> memref<1024xi32, #tpu.memory_space<vmem>>
      %dma_wait3A_36 = arith.constant 0 : i32
      %dma_wait3A_37 = tpu.memref_slice %arg2[%add3A_10, %dma_wait3A_36] : memref<128x1024xi32, #tpu.memory_space<hbm>> -> memref<1x1024xi32, #tpu.memory_space<hbm>>
      %dma_wait3A_38 = tpu.memref_squeeze %dma_wait3A_37 : memref<1x1024xi32, #tpu.memory_space<hbm>> -> memref<1024xi32, #tpu.memory_space<hbm>>
      tpu.wait_dma2 semaphore(%run_scoped3A : memref<!tpu.dma_semaphore, #tpu.memory_space<semaphore_mem>>) src(%dma_wait3A_38 : memref<1024xi32, #tpu.memory_space<hbm>>) dst(%dma_wait3A_35 : memref<1024xi32, #tpu.memory_space<vmem>>)
      tpu.yield
    }) : () -> ()
    %parallel_loop3A = arith.constant 0 : i32
    %parallel_loop3A_11 = arith.constant 4096 : i32
    %parallel_loop3A_12 = arith.constant 16 : i32
    scf.for %parallel_loop3A_21 = %parallel_loop3A to %parallel_loop3A_11 step %parallel_loop3A_12  : i32 {
      %parallel_loop3A_22 = arith.index_cast %parallel_loop3A_21 : i32 to index
      %parallel_loop3A_23 = tpu.vector_load %arg6[%parallel_loop3A_22] {strides = array<i32>} : memref<4096xi32, #tpu.memory_space<vmem>>, vector<16xi32>,
      %parallel_loop3A_24 = tpu.vector_load_idx %arg5[%parallel_loop3A_23] : memref<512xi32, #tpu.memory_space<vmem>>[vector<16xi32>], vector<16xi32>,
      %parallel_loop3A_25 = arith.index_cast %parallel_loop3A_21 : i32 to index
      %parallel_loop3A_26 = tpu.vector_load %arg7[%parallel_loop3A_25] {strides = array<i32>} : memref<4096xi32, #tpu.memory_space<vmem>>, vector<16xi32>,
      tpu.vector_store %arg7[%parallel_loop3A_25], %parallel_loop3A_24 {strides = array<i32>} : memref<4096xi32, #tpu.memory_space<vmem>>, vector<16xi32>,
    } {sc.loop_unroll_factor = 8 : i64, sc.parallel_access}
    %add3A_13 = arith.constant 0 : i32
    %add3A_14 = arith.addi %mul3A_2, %add3A_13 : i32
    "tpu.region"() ({
      %run_scoped3A = tpu.sem_alloc : memref<!tpu.dma_semaphore, #tpu.memory_space<semaphore_mem>>
      %dma_start3A = arith.constant 0 : i32
      %dma_start3A_21 = tpu.memref_slice %arg7[%dma_start3A] : memref<4096xi32, #tpu.memory_space<vmem>> -> memref<1024xi32, #tpu.memory_space<vmem>>
      %dma_start3A_22 = arith.constant 0 : i32
      %dma_start3A_23 = tpu.memref_slice %arg4[%add3A_14, %dma_start3A_22] : memref<128x1024xi32, #tpu.memory_space<hbm>> -> memref<1x1024xi32, #tpu.memory_space<hbm>>
      %dma_start3A_24 = tpu.memref_squeeze %dma_start3A_23 : memref<1x1024xi32, #tpu.memory_space<hbm>> -> memref<1024xi32, #tpu.memory_space<hbm>>
      %dma_start3A_25 = arith.constant 0 : i32
      %dma_start3A_26 = tpu.memref_slice %arg4[%add3A_14, %dma_start3A_25] : memref<128x1024xi32, #tpu.memory_space<hbm>> -> memref<1x1024xi32, #tpu.memory_space<hbm>>
      %dma_start3A_27 = tpu.memref_squeeze %dma_start3A_26 : memref<1x1024xi32, #tpu.memory_space<hbm>> -> memref<1024xi32, #tpu.memory_space<hbm>>
      %dma_start3A_28 = arith.constant 0 : i32
      %dma_start3A_29 = tpu.memref_slice %arg7[%dma_start3A_28] : memref<4096xi32, #tpu.memory_space<vmem>> -> memref<1024xi32, #tpu.memory_space<vmem>>
      tpu.enqueue_dma source(%dma_start3A_29 : memref<1024xi32, #tpu.memory_space<vmem>>) target(%dma_start3A_27 : memref<1024xi32, #tpu.memory_space<hbm>>) target_semaphore(%run_scoped3A : memref<!tpu.dma_semaphore, #tpu.memory_space<semaphore_mem>>)
      %dma_wait3A = arith.constant 0 : i32
      %dma_wait3A_30 = tpu.memref_slice %arg7[%dma_wait3A] : memref<4096xi32, #tpu.memory_space<vmem>> -> memref<1024xi32, #tpu.memory_space<vmem>>
      %dma_wait3A_31 = arith.constant 0 : i32
      %dma_wait3A_32 = tpu.memref_slice %arg4[%add3A_14, %dma_wait3A_31] : memref<128x1024xi32, #tpu.memory_space<hbm>> -> memref<1x1024xi32, #tpu.memory_space<hbm>>
      %dma_wait3A_33 = tpu.memref_squeeze %dma_wait3A_32 : memref<1x1024xi32, #tpu.memory_space<hbm>> -> memref<1024xi32, #tpu.memory_space<hbm>>
      %dma_wait3A_34 = arith.constant 0 : i32
      %dma_wait3A_35 = tpu.memref_slice %arg4[%add3A_14, %dma_wait3A_34] : memref<128x1024xi32, #tpu.memory_space<hbm>> -> memref<1x1024xi32, #tpu.memory_space<hbm>>
      %dma_wait3A_36 = tpu.memref_squeeze %dma_wait3A_35 : memref<1x1024xi32, #tpu.memory_space<hbm>> -> memref<1024xi32, #tpu.memory_space<hbm>>
      %dma_wait3A_37 = arith.constant 0 : i32
      %dma_wait3A_38 = tpu.memref_slice %arg7[%dma_wait3A_37] : memref<4096xi32, #tpu.memory_space<vmem>> -> memref<1024xi32, #tpu.memory_space<vmem>>
      tpu.wait_dma2 semaphore(%run_scoped3A : memref<!tpu.dma_semaphore, #tpu.memory_space<semaphore_mem>>) src(%dma_wait3A_38 : memref<1024xi32, #tpu.memory_space<vmem>>) dst(%dma_wait3A_36 : memref<1024xi32, #tpu.memory_space<hbm>>)
      tpu.yield
    }) : () -> ()
    %add3A_15 = arith.constant 1 : i32
    %add3A_16 = arith.addi %mul3A_2, %add3A_15 : i32
    "tpu.region"() ({
      %run_scoped3A = tpu.sem_alloc : memref<!tpu.dma_semaphore, #tpu.memory_space<semaphore_mem>>
      %dma_start3A = arith.constant 1024 : i32
      %dma_start3A_21 = tpu.memref_slice %arg7[%dma_start3A] : memref<4096xi32, #tpu.memory_space<vmem>> -> memref<1024xi32, #tpu.memory_space<vmem>>
      %dma_start3A_22 = arith.constant 0 : i32
      %dma_start3A_23 = tpu.memref_slice %arg4[%add3A_16, %dma_start3A_22] : memref<128x1024xi32, #tpu.memory_space<hbm>> -> memref<1x1024xi32, #tpu.memory_space<hbm>>
      %dma_start3A_24 = tpu.memref_squeeze %dma_start3A_23 : memref<1x1024xi32, #tpu.memory_space<hbm>> -> memref<1024xi32, #tpu.memory_space<hbm>>
      %dma_start3A_25 = arith.constant 0 : i32
      %dma_start3A_26 = tpu.memref_slice %arg4[%add3A_16, %dma_start3A_25] : memref<128x1024xi32, #tpu.memory_space<hbm>> -> memref<1x1024xi32, #tpu.memory_space<hbm>>
      %dma_start3A_27 = tpu.memref_squeeze %dma_start3A_26 : memref<1x1024xi32, #tpu.memory_space<hbm>> -> memref<1024xi32, #tpu.memory_space<hbm>>
      %dma_start3A_28 = arith.constant 1024 : i32
      %dma_start3A_29 = tpu.memref_slice %arg7[%dma_start3A_28] : memref<4096xi32, #tpu.memory_space<vmem>> -> memref<1024xi32, #tpu.memory_space<vmem>>
      tpu.enqueue_dma source(%dma_start3A_29 : memref<1024xi32, #tpu.memory_space<vmem>>) target(%dma_start3A_27 : memref<1024xi32, #tpu.memory_space<hbm>>) target_semaphore(%run_scoped3A : memref<!tpu.dma_semaphore, #tpu.memory_space<semaphore_mem>>)
      %dma_wait3A = arith.constant 1024 : i32
      %dma_wait3A_30 = tpu.memref_slice %arg7[%dma_wait3A] : memref<4096xi32, #tpu.memory_space<vmem>> -> memref<1024xi32, #tpu.memory_space<vmem>>
      %dma_wait3A_31 = arith.constant 0 : i32
      %dma_wait3A_32 = tpu.memref_slice %arg4[%add3A_16, %dma_wait3A_31] : memref<128x1024xi32, #tpu.memory_space<hbm>> -> memref<1x1024xi32, #tpu.memory_space<hbm>>
      %dma_wait3A_33 = tpu.memref_squeeze %dma_wait3A_32 : memref<1x1024xi32, #tpu.memory_space<hbm>> -> memref<1024xi32, #tpu.memory_space<hbm>>
      %dma_wait3A_34 = arith.constant 0 : i32
      %dma_wait3A_35 = tpu.memref_slice %arg4[%add3A_16, %dma_wait3A_34] : memref<128x1024xi32, #tpu.memory_space<hbm>> -> memref<1x1024xi32, #tpu.memory_space<hbm>>
      %dma_wait3A_36 = tpu.memref_squeeze %dma_wait3A_35 : memref<1x1024xi32, #tpu.memory_space<hbm>> -> memref<1024xi32, #tpu.memory_space<hbm>>
      %dma_wait3A_37 = arith.constant 1024 : i32
      %dma_wait3A_38 = tpu.memref_slice %arg7[%dma_wait3A_37] : memref<4096xi32, #tpu.memory_space<vmem>> -> memref<1024xi32, #tpu.memory_space<vmem>>
      tpu.wait_dma2 semaphore(%run_scoped3A : memref<!tpu.dma_semaphore, #tpu.memory_space<semaphore_mem>>) src(%dma_wait3A_38 : memref<1024xi32, #tpu.memory_space<vmem>>) dst(%dma_wait3A_36 : memref<1024xi32, #tpu.memory_space<hbm>>)
      tpu.yield
    }) : () -> ()
    %add3A_17 = arith.constant 2 : i32
    %add3A_18 = arith.addi %mul3A_2, %add3A_17 : i32
    "tpu.region"() ({
      %run_scoped3A = tpu.sem_alloc : memref<!tpu.dma_semaphore, #tpu.memory_space<semaphore_mem>>
      %dma_start3A = arith.constant 2048 : i32
      %dma_start3A_21 = tpu.memref_slice %arg7[%dma_start3A] : memref<4096xi32, #tpu.memory_space<vmem>> -> memref<1024xi32, #tpu.memory_space<vmem>>
      %dma_start3A_22 = arith.constant 0 : i32
      %dma_start3A_23 = tpu.memref_slice %arg4[%add3A_18, %dma_start3A_22] : memref<128x1024xi32, #tpu.memory_space<hbm>> -> memref<1x1024xi32, #tpu.memory_space<hbm>>
      %dma_start3A_24 = tpu.memref_squeeze %dma_start3A_23 : memref<1x1024xi32, #tpu.memory_space<hbm>> -> memref<1024xi32, #tpu.memory_space<hbm>>
      %dma_start3A_25 = arith.constant 0 : i32
      %dma_start3A_26 = tpu.memref_slice %arg4[%add3A_18, %dma_start3A_25] : memref<128x1024xi32, #tpu.memory_space<hbm>> -> memref<1x1024xi32, #tpu.memory_space<hbm>>
      %dma_start3A_27 = tpu.memref_squeeze %dma_start3A_26 : memref<1x1024xi32, #tpu.memory_space<hbm>> -> memref<1024xi32, #tpu.memory_space<hbm>>
      %dma_start3A_28 = arith.constant 2048 : i32
      %dma_start3A_29 = tpu.memref_slice %arg7[%dma_start3A_28] : memref<4096xi32, #tpu.memory_space<vmem>> -> memref<1024xi32, #tpu.memory_space<vmem>>
      tpu.enqueue_dma source(%dma_start3A_29 : memref<1024xi32, #tpu.memory_space<vmem>>) target(%dma_start3A_27 : memref<1024xi32, #tpu.memory_space<hbm>>) target_semaphore(%run_scoped3A : memref<!tpu.dma_semaphore, #tpu.memory_space<semaphore_mem>>)
      %dma_wait3A = arith.constant 2048 : i32
      %dma_wait3A_30 = tpu.memref_slice %arg7[%dma_wait3A] : memref<4096xi32, #tpu.memory_space<vmem>> -> memref<1024xi32, #tpu.memory_space<vmem>>
      %dma_wait3A_31 = arith.constant 0 : i32
      %dma_wait3A_32 = tpu.memref_slice %arg4[%add3A_18, %dma_wait3A_31] : memref<128x1024xi32, #tpu.memory_space<hbm>> -> memref<1x1024xi32, #tpu.memory_space<hbm>>
      %dma_wait3A_33 = tpu.memref_squeeze %dma_wait3A_32 : memref<1x1024xi32, #tpu.memory_space<hbm>> -> memref<1024xi32, #tpu.memory_space<hbm>>
      %dma_wait3A_34 = arith.constant 0 : i32
      %dma_wait3A_35 = tpu.memref_slice %arg4[%add3A_18, %dma_wait3A_34] : memref<128x1024xi32, #tpu.memory_space<hbm>> -> memref<1x1024xi32, #tpu.memory_space<hbm>>
      %dma_wait3A_36 = tpu.memref_squeeze %dma_wait3A_35 : memref<1x1024xi32, #tpu.memory_space<hbm>> -> memref<1024xi32, #tpu.memory_space<hbm>>
      %dma_wait3A_37 = arith.constant 2048 : i32
      %dma_wait3A_38 = tpu.memref_slice %arg7[%dma_wait3A_37] : memref<4096xi32, #tpu.memory_space<vmem>> -> memref<1024xi32, #tpu.memory_space<vmem>>
      tpu.wait_dma2 semaphore(%run_scoped3A : memref<!tpu.dma_semaphore, #tpu.memory_space<semaphore_mem>>) src(%dma_wait3A_38 : memref<1024xi32, #tpu.memory_space<vmem>>) dst(%dma_wait3A_36 : memref<1024xi32, #tpu.memory_space<hbm>>)
      tpu.yield
    }) : () -> ()
    %add3A_19 = arith.constant 3 : i32
    %add3A_20 = arith.addi %mul3A_2, %add3A_19 : i32
    "tpu.region"() ({
      %run_scoped3A = tpu.sem_alloc : memref<!tpu.dma_semaphore, #tpu.memory_space<semaphore_mem>>
      %dma_start3A = arith.constant 3072 : i32
      %dma_start3A_21 = tpu.memref_slice %arg7[%dma_start3A] : memref<4096xi32, #tpu.memory_space<vmem>> -> memref<1024xi32, #tpu.memory_space<vmem>>
      %dma_start3A_22 = arith.constant 0 : i32
      %dma_start3A_23 = tpu.memref_slice %arg4[%add3A_20, %dma_start3A_22] : memref<128x1024xi32, #tpu.memory_space<hbm>> -> memref<1x1024xi32, #tpu.memory_space<hbm>>
      %dma_start3A_24 = tpu.memref_squeeze %dma_start3A_23 : memref<1x1024xi32, #tpu.memory_space<hbm>> -> memref<1024xi32, #tpu.memory_space<hbm>>
      %dma_start3A_25 = arith.constant 0 : i32
      %dma_start3A_26 = tpu.memref_slice %arg4[%add3A_20, %dma_start3A_25] : memref<128x1024xi32, #tpu.memory_space<hbm>> -> memref<1x1024xi32, #tpu.memory_space<hbm>>
      %dma_start3A_27 = tpu.memref_squeeze %dma_start3A_26 : memref<1x1024xi32, #tpu.memory_space<hbm>> -> memref<1024xi32, #tpu.memory_space<hbm>>
      %dma_start3A_28 = arith.constant 3072 : i32
      %dma_start3A_29 = tpu.memref_slice %arg7[%dma_start3A_28] : memref<4096xi32, #tpu.memory_space<vmem>> -> memref<1024xi32, #tpu.memory_space<vmem>>
      tpu.enqueue_dma source(%dma_start3A_29 : memref<1024xi32, #tpu.memory_space<vmem>>) target(%dma_start3A_27 : memref<1024xi32, #tpu.memory_space<hbm>>) target_semaphore(%run_scoped3A : memref<!tpu.dma_semaphore, #tpu.memory_space<semaphore_mem>>)
      %dma_wait3A = arith.constant 3072 : i32
      %dma_wait3A_30 = tpu.memref_slice %arg7[%dma_wait3A] : memref<4096xi32, #tpu.memory_space<vmem>> -> memref<1024xi32, #tpu.memory_space<vmem>>
      %dma_wait3A_31 = arith.constant 0 : i32
      %dma_wait3A_32 = tpu.memref_slice %arg4[%add3A_20, %dma_wait3A_31] : memref<128x1024xi32, #tpu.memory_space<hbm>> -> memref<1x1024xi32, #tpu.memory_space<hbm>>
      %dma_wait3A_33 = tpu.memref_squeeze %dma_wait3A_32 : memref<1x1024xi32, #tpu.memory_space<hbm>> -> memref<1024xi32, #tpu.memory_space<hbm>>
      %dma_wait3A_34 = arith.constant 0 : i32
      %dma_wait3A_35 = tpu.memref_slice %arg4[%add3A_20, %dma_wait3A_34] : memref<128x1024xi32, #tpu.memory_space<hbm>> -> memref<1x1024xi32, #tpu.memory_space<hbm>>
      %dma_wait3A_36 = tpu.memref_squeeze %dma_wait3A_35 : memref<1x1024xi32, #tpu.memory_space<hbm>> -> memref<1024xi32, #tpu.memory_space<hbm>>
      %dma_wait3A_37 = arith.constant 3072 : i32
      %dma_wait3A_38 = tpu.memref_slice %arg7[%dma_wait3A_37] : memref<4096xi32, #tpu.memory_space<vmem>> -> memref<1024xi32, #tpu.memory_space<vmem>>
      tpu.wait_dma2 semaphore(%run_scoped3A : memref<!tpu.dma_semaphore, #tpu.memory_space<semaphore_mem>>) src(%dma_wait3A_38 : memref<1024xi32, #tpu.memory_space<vmem>>) dst(%dma_wait3A_36 : memref<1024xi32, #tpu.memory_space<hbm>>)
      tpu.yield
    }) : () -> ()
    return
  }
}

module attributes {stable_mosaic.version = 14 : i64} {
  func.func @_argmax_body(%arg0: i32, %arg1: memref<32x32x1024xf32, #tpu.memory_space<vmem>>, %arg2: memref<32x512xf32, #tpu.memory_space<vmem>>, %arg3: memref<32x1024xi32, #tpu.memory_space<vmem>>) attributes {dimension_semantics = [#tpu.dimension_semantics<arbitrary>], iteration_bounds = array<i64: 4>, scalar_prefetch = 0 : i64, scratch_operands = 0 : i64, tpu.core_type = #tpu.core_type<tc>, window_params = [{transform_indices = @transform_0, window_bounds = array<i64: 32, 32, 1024>}, {pipeline_mode = #tpu.pipeline_mode<synchronous>, transform_indices = @transform_1, window_bounds = array<i64: 32, 512>}, {transform_indices = @transform_2, window_bounds = array<i64: 32, 1024>}]} {
    %get3A = arith.constant 0 : index
    %get3A_0 = arith.constant 0 : index
    %get3A_1 = vector.load %arg2[%get3A, %get3A_0] : memref<32x512xf32, #tpu.memory_space<vmem>>, vector<32x512xf32>
    %convert_element_type3A = arith.truncf %get3A_1 : vector<32x512xf32> to vector<32x512xbf16>
    %get3A_2 = arith.constant 0 : index
    %get3A_3 = arith.constant 0 : index
    %get3A_4 = arith.constant 0 : index
    %get3A_5 = vector.load %arg1[%get3A_2, %get3A_3, %get3A_4] : memref<32x32x1024xf32, #tpu.memory_space<vmem>>, vector<1x32x1024xf32>
    %get3A_6 = vector.shape_cast %get3A_5 : vector<1x32x1024xf32> to vector<32x1024xf32>
    %mul3A = arith.mulf %get3A_6, %get3A_6 : vector<32x1024xf32>
    %reduce_sum3A = arith.constant dense<0.000000e+00> : vector<1024xf32>
    %reduce_sum3A_7 = vector.multi_reduction <add>, %mul3A, %reduce_sum3A [0] : vector<32x1024xf32> to vector<1024xf32>
    %broadcast_in_dim3A = vector.shape_cast %reduce_sum3A_7 : vector<1024xf32> to vector<1x1024xf32>
    %sqrt3A = math.sqrt %broadcast_in_dim3A : vector<1x1024xf32>
    %max3A = arith.constant 9.99999996E-13 : f32
    %max3A_8 = vector.broadcast %max3A : f32 to vector<1x1024xf32>
    %max3A_9 = arith.maximumf %sqrt3A, %max3A_8 : vector<1x1024xf32>
    %div3A = vector.broadcast %max3A_9 : vector<1x1024xf32> to vector<32x1024xf32>
    %div3A_10 = arith.divf %get3A_6, %div3A : vector<32x1024xf32>
    %convert_element_type3A_11 = arith.truncf %div3A_10 : vector<32x1024xf32> to vector<32x1024xbf16>
    %dot_general3A = arith.constant dense<0.000000e+00> : vector<512x1024xf32>
    %dot_general3A_12 = tpu.matmul %convert_element_type3A, %convert_element_type3A_11, %dot_general3A {dimension_numbers = #tpu.dot_dimension_numbers<[0], [0], [1], [1], [0, 1, 1, 1], [], []>, transpose_lhs_hint = false} : vector<32x512xbf16>, vector<32x1024xbf16>, vector<512x1024xf32> -> vector<512x1024xf32>
    %argmax3A = tpu.reduce_index %dot_general3A_12 {axis = 0 : i32, kind = #tpu.reduction_kind<arg_max>} : vector<512x1024xf32> -> vector<1024xi32>
    %swap3A = arith.constant 0 : index
    %swap3A_13 = arith.constant 0 : index
    %swap3A_14 = vector.load %arg3[%swap3A, %swap3A_13] : memref<32x1024xi32, #tpu.memory_space<vmem>>, vector<1x1024xi32>
    %swap3A_15 = vector.shape_cast %swap3A_14 : vector<1x1024xi32> to vector<1024xi32>
    %swap3A_16 = vector.shape_cast %argmax3A : vector<1024xi32> to vector<1x1024xi32>
    tpu.vector_store %arg3[%swap3A, %swap3A_13], %swap3A_16 {strides = array<i32>} : memref<32x1024xi32, #tpu.memory_space<vmem>>, vector<1x1024xi32>,
    %get3A_17 = arith.constant 1 : index
    %get3A_18 = arith.constant 0 : index
    %get3A_19 = arith.constant 0 : index
    %get3A_20 = vector.load %arg1[%get3A_17, %get3A_18, %get3A_19] : memref<32x32x1024xf32, #tpu.memory_space<vmem>>, vector<1x32x1024xf32>
    %get3A_21 = vector.shape_cast %get3A_20 : vector<1x32x1024xf32> to vector<32x1024xf32>
    %mul3A_22 = arith.mulf %get3A_21, %get3A_21 : vector<32x1024xf32>
    %reduce_sum3A_23 = arith.constant dense<0.000000e+00> : vector<1024xf32>
    %reduce_sum3A_24 = vector.multi_reduction <add>, %mul3A_22, %reduce_sum3A_23 [0] : vector<32x1024xf32> to vector<1024xf32>
    %broadcast_in_dim3A_25 = vector.shape_cast %reduce_sum3A_24 : vector<1024xf32> to vector<1x1024xf32>
    %sqrt3A_26 = math.sqrt %broadcast_in_dim3A_25 : vector<1x1024xf32>
    %max3A_27 = arith.constant 9.99999996E-13 : f32
    %max3A_28 = vector.broadcast %max3A_27 : f32 to vector<1x1024xf32>
    %max3A_29 = arith.maximumf %sqrt3A_26, %max3A_28 : vector<1x1024xf32>
    %div3A_30 = vector.broadcast %max3A_29 : vector<1x1024xf32> to vector<32x1024xf32>
    %div3A_31 = arith.divf %get3A_21, %div3A_30 : vector<32x1024xf32>
    %convert_element_type3A_32 = arith.truncf %div3A_31 : vector<32x1024xf32> to vector<32x1024xbf16>
    %dot_general3A_33 = arith.constant dense<0.000000e+00> : vector<512x1024xf32>
    %dot_general3A_34 = tpu.matmul %convert_element_type3A, %convert_element_type3A_32, %dot_general3A_33 {dimension_numbers = #tpu.dot_dimension_numbers<[0], [0], [1], [1], [0, 1, 1, 1], [], []>, transpose_lhs_hint = false} : vector<32x512xbf16>, vector<32x1024xbf16>, vector<512x1024xf32> -> vector<512x1024xf32>
    %argmax3A_35 = tpu.reduce_index %dot_general3A_34 {axis = 0 : i32, kind = #tpu.reduction_kind<arg_max>} : vector<512x1024xf32> -> vector<1024xi32>
    %swap3A_36 = arith.constant 1 : index
    %swap3A_37 = arith.constant 0 : index
    %swap3A_38 = vector.load %arg3[%swap3A_36, %swap3A_37] : memref<32x1024xi32, #tpu.memory_space<vmem>>, vector<1x1024xi32>
    %swap3A_39 = vector.shape_cast %swap3A_38 : vector<1x1024xi32> to vector<1024xi32>
    %swap3A_40 = vector.shape_cast %argmax3A_35 : vector<1024xi32> to vector<1x1024xi32>
    tpu.vector_store %arg3[%swap3A_36, %swap3A_37], %swap3A_40 {strides = array<i32>} : memref<32x1024xi32, #tpu.memory_space<vmem>>, vector<1x1024xi32>,
    %get3A_41 = arith.constant 2 : index
    %get3A_42 = arith.constant 0 : index
    %get3A_43 = arith.constant 0 : index
    %get3A_44 = vector.load %arg1[%get3A_41, %get3A_42, %get3A_43] : memref<32x32x1024xf32, #tpu.memory_space<vmem>>, vector<1x32x1024xf32>
    %get3A_45 = vector.shape_cast %get3A_44 : vector<1x32x1024xf32> to vector<32x1024xf32>
    %mul3A_46 = arith.mulf %get3A_45, %get3A_45 : vector<32x1024xf32>
    %reduce_sum3A_47 = arith.constant dense<0.000000e+00> : vector<1024xf32>
    %reduce_sum3A_48 = vector.multi_reduction <add>, %mul3A_46, %reduce_sum3A_47 [0] : vector<32x1024xf32> to vector<1024xf32>
    %broadcast_in_dim3A_49 = vector.shape_cast %reduce_sum3A_48 : vector<1024xf32> to vector<1x1024xf32>
    %sqrt3A_50 = math.sqrt %broadcast_in_dim3A_49 : vector<1x1024xf32>
    %max3A_51 = arith.constant 9.99999996E-13 : f32
    %max3A_52 = vector.broadcast %max3A_51 : f32 to vector<1x1024xf32>
    %max3A_53 = arith.maximumf %sqrt3A_50, %max3A_52 : vector<1x1024xf32>
    %div3A_54 = vector.broadcast %max3A_53 : vector<1x1024xf32> to vector<32x1024xf32>
    %div3A_55 = arith.divf %get3A_45, %div3A_54 : vector<32x1024xf32>
    %convert_element_type3A_56 = arith.truncf %div3A_55 : vector<32x1024xf32> to vector<32x1024xbf16>
    %dot_general3A_57 = arith.constant dense<0.000000e+00> : vector<512x1024xf32>
    %dot_general3A_58 = tpu.matmul %convert_element_type3A, %convert_element_type3A_56, %dot_general3A_57 {dimension_numbers = #tpu.dot_dimension_numbers<[0], [0], [1], [1], [0, 1, 1, 1], [], []>, transpose_lhs_hint = false} : vector<32x512xbf16>, vector<32x1024xbf16>, vector<512x1024xf32> -> vector<512x1024xf32>
    %argmax3A_59 = tpu.reduce_index %dot_general3A_58 {axis = 0 : i32, kind = #tpu.reduction_kind<arg_max>} : vector<512x1024xf32> -> vector<1024xi32>
    %swap3A_60 = arith.constant 2 : index
    %swap3A_61 = arith.constant 0 : index
    %swap3A_62 = vector.load %arg3[%swap3A_60, %swap3A_61] : memref<32x1024xi32, #tpu.memory_space<vmem>>, vector<1x1024xi32>
    %swap3A_63 = vector.shape_cast %swap3A_62 : vector<1x1024xi32> to vector<1024xi32>
    %swap3A_64 = vector.shape_cast %argmax3A_59 : vector<1024xi32> to vector<1x1024xi32>
    tpu.vector_store %arg3[%swap3A_60, %swap3A_61], %swap3A_64 {strides = array<i32>} : memref<32x1024xi32, #tpu.memory_space<vmem>>, vector<1x1024xi32>,
    %get3A_65 = arith.constant 3 : index
    %get3A_66 = arith.constant 0 : index
    %get3A_67 = arith.constant 0 : index
    %get3A_68 = vector.load %arg1[%get3A_65, %get3A_66, %get3A_67] : memref<32x32x1024xf32, #tpu.memory_space<vmem>>, vector<1x32x1024xf32>
    %get3A_69 = vector.shape_cast %get3A_68 : vector<1x32x1024xf32> to vector<32x1024xf32>
    %mul3A_70 = arith.mulf %get3A_69, %get3A_69 : vector<32x1024xf32>
    %reduce_sum3A_71 = arith.constant dense<0.000000e+00> : vector<1024xf32>
    %reduce_sum3A_72 = vector.multi_reduction <add>, %mul3A_70, %reduce_sum3A_71 [0] : vector<32x1024xf32> to vector<1024xf32>
    %broadcast_in_dim3A_73 = vector.shape_cast %reduce_sum3A_72 : vector<1024xf32> to vector<1x1024xf32>
    %sqrt3A_74 = math.sqrt %broadcast_in_dim3A_73 : vector<1x1024xf32>
    %max3A_75 = arith.constant 9.99999996E-13 : f32
    %max3A_76 = vector.broadcast %max3A_75 : f32 to vector<1x1024xf32>
    %max3A_77 = arith.maximumf %sqrt3A_74, %max3A_76 : vector<1x1024xf32>
    %div3A_78 = vector.broadcast %max3A_77 : vector<1x1024xf32> to vector<32x1024xf32>
    %div3A_79 = arith.divf %get3A_69, %div3A_78 : vector<32x1024xf32>
    %convert_element_type3A_80 = arith.truncf %div3A_79 : vector<32x1024xf32> to vector<32x1024xbf16>
    %dot_general3A_81 = arith.constant dense<0.000000e+00> : vector<512x1024xf32>
    %dot_general3A_82 = tpu.matmul %convert_element_type3A, %convert_element_type3A_80, %dot_general3A_81 {dimension_numbers = #tpu.dot_dimension_numbers<[0], [0], [1], [1], [0, 1, 1, 1], [], []>, transpose_lhs_hint = false} : vector<32x512xbf16>, vector<32x1024xbf16>, vector<512x1024xf32> -> vector<512x1024xf32>
    %argmax3A_83 = tpu.reduce_index %dot_general3A_82 {axis = 0 : i32, kind = #tpu.reduction_kind<arg_max>} : vector<512x1024xf32> -> vector<1024xi32>
    %swap3A_84 = arith.constant 3 : index
    %swap3A_85 = arith.constant 0 : index
    %swap3A_86 = vector.load %arg3[%swap3A_84, %swap3A_85] : memref<32x1024xi32, #tpu.memory_space<vmem>>, vector<1x1024xi32>
    %swap3A_87 = vector.shape_cast %swap3A_86 : vector<1x1024xi32> to vector<1024xi32>
    %swap3A_88 = vector.shape_cast %argmax3A_83 : vector<1024xi32> to vector<1x1024xi32>
    tpu.vector_store %arg3[%swap3A_84, %swap3A_85], %swap3A_88 {strides = array<i32>} : memref<32x1024xi32, #tpu.memory_space<vmem>>, vector<1x1024xi32>,
    %get3A_89 = arith.constant 4 : index
    %get3A_90 = arith.constant 0 : index
    %get3A_91 = arith.constant 0 : index
    %get3A_92 = vector.load %arg1[%get3A_89, %get3A_90, %get3A_91] : memref<32x32x1024xf32, #tpu.memory_space<vmem>>, vector<1x32x1024xf32>
    %get3A_93 = vector.shape_cast %get3A_92 : vector<1x32x1024xf32> to vector<32x1024xf32>
    %mul3A_94 = arith.mulf %get3A_93, %get3A_93 : vector<32x1024xf32>
    %reduce_sum3A_95 = arith.constant dense<0.000000e+00> : vector<1024xf32>
    %reduce_sum3A_96 = vector.multi_reduction <add>, %mul3A_94, %reduce_sum3A_95 [0] : vector<32x1024xf32> to vector<1024xf32>
    %broadcast_in_dim3A_97 = vector.shape_cast %reduce_sum3A_96 : vector<1024xf32> to vector<1x1024xf32>
    %sqrt3A_98 = math.sqrt %broadcast_in_dim3A_97 : vector<1x1024xf32>
    %max3A_99 = arith.constant 9.99999996E-13 : f32
    %max3A_100 = vector.broadcast %max3A_99 : f32 to vector<1x1024xf32>
    %max3A_101 = arith.maximumf %sqrt3A_98, %max3A_100 : vector<1x1024xf32>
    %div3A_102 = vector.broadcast %max3A_101 : vector<1x1024xf32> to vector<32x1024xf32>
    %div3A_103 = arith.divf %get3A_93, %div3A_102 : vector<32x1024xf32>
    %convert_element_type3A_104 = arith.truncf %div3A_103 : vector<32x1024xf32> to vector<32x1024xbf16>
    %dot_general3A_105 = arith.constant dense<0.000000e+00> : vector<512x1024xf32>
    %dot_general3A_106 = tpu.matmul %convert_element_type3A, %convert_element_type3A_104, %dot_general3A_105 {dimension_numbers = #tpu.dot_dimension_numbers<[0], [0], [1], [1], [0, 1, 1, 1], [], []>, transpose_lhs_hint = false} : vector<32x512xbf16>, vector<32x1024xbf16>, vector<512x1024xf32> -> vector<512x1024xf32>
    %argmax3A_107 = tpu.reduce_index %dot_general3A_106 {axis = 0 : i32, kind = #tpu.reduction_kind<arg_max>} : vector<512x1024xf32> -> vector<1024xi32>
    %swap3A_108 = arith.constant 4 : index
    %swap3A_109 = arith.constant 0 : index
    %swap3A_110 = vector.load %arg3[%swap3A_108, %swap3A_109] : memref<32x1024xi32, #tpu.memory_space<vmem>>, vector<1x1024xi32>
    %swap3A_111 = vector.shape_cast %swap3A_110 : vector<1x1024xi32> to vector<1024xi32>
    %swap3A_112 = vector.shape_cast %argmax3A_107 : vector<1024xi32> to vector<1x1024xi32>
    tpu.vector_store %arg3[%swap3A_108, %swap3A_109], %swap3A_112 {strides = array<i32>} : memref<32x1024xi32, #tpu.memory_space<vmem>>, vector<1x1024xi32>,
    %get3A_113 = arith.constant 5 : index
    %get3A_114 = arith.constant 0 : index
    %get3A_115 = arith.constant 0 : index
    %get3A_116 = vector.load %arg1[%get3A_113, %get3A_114, %get3A_115] : memref<32x32x1024xf32, #tpu.memory_space<vmem>>, vector<1x32x1024xf32>
    %get3A_117 = vector.shape_cast %get3A_116 : vector<1x32x1024xf32> to vector<32x1024xf32>
    %mul3A_118 = arith.mulf %get3A_117, %get3A_117 : vector<32x1024xf32>
    %reduce_sum3A_119 = arith.constant dense<0.000000e+00> : vector<1024xf32>
    %reduce_sum3A_120 = vector.multi_reduction <add>, %mul3A_118, %reduce_sum3A_119 [0] : vector<32x1024xf32> to vector<1024xf32>
    %broadcast_in_dim3A_121 = vector.shape_cast %reduce_sum3A_120 : vector<1024xf32> to vector<1x1024xf32>
    %sqrt3A_122 = math.sqrt %broadcast_in_dim3A_121 : vector<1x1024xf32>
    %max3A_123 = arith.constant 9.99999996E-13 : f32
    %max3A_124 = vector.broadcast %max3A_123 : f32 to vector<1x1024xf32>
    %max3A_125 = arith.maximumf %sqrt3A_122, %max3A_124 : vector<1x1024xf32>
    %div3A_126 = vector.broadcast %max3A_125 : vector<1x1024xf32> to vector<32x1024xf32>
    %div3A_127 = arith.divf %get3A_117, %div3A_126 : vector<32x1024xf32>
    %convert_element_type3A_128 = arith.truncf %div3A_127 : vector<32x1024xf32> to vector<32x1024xbf16>
    %dot_general3A_129 = arith.constant dense<0.000000e+00> : vector<512x1024xf32>
    %dot_general3A_130 = tpu.matmul %convert_element_type3A, %convert_element_type3A_128, %dot_general3A_129 {dimension_numbers = #tpu.dot_dimension_numbers<[0], [0], [1], [1], [0, 1, 1, 1], [], []>, transpose_lhs_hint = false} : vector<32x512xbf16>, vector<32x1024xbf16>, vector<512x1024xf32> -> vector<512x1024xf32>
    %argmax3A_131 = tpu.reduce_index %dot_general3A_130 {axis = 0 : i32, kind = #tpu.reduction_kind<arg_max>} : vector<512x1024xf32> -> vector<1024xi32>
    %swap3A_132 = arith.constant 5 : index
    %swap3A_133 = arith.constant 0 : index
    %swap3A_134 = vector.load %arg3[%swap3A_132, %swap3A_133] : memref<32x1024xi32, #tpu.memory_space<vmem>>, vector<1x1024xi32>
    %swap3A_135 = vector.shape_cast %swap3A_134 : vector<1x1024xi32> to vector<1024xi32>
    %swap3A_136 = vector.shape_cast %argmax3A_131 : vector<1024xi32> to vector<1x1024xi32>
    tpu.vector_store %arg3[%swap3A_132, %swap3A_133], %swap3A_136 {strides = array<i32>} : memref<32x1024xi32, #tpu.memory_space<vmem>>, vector<1x1024xi32>,
    %get3A_137 = arith.constant 6 : index
    %get3A_138 = arith.constant 0 : index
    %get3A_139 = arith.constant 0 : index
    %get3A_140 = vector.load %arg1[%get3A_137, %get3A_138, %get3A_139] : memref<32x32x1024xf32, #tpu.memory_space<vmem>>, vector<1x32x1024xf32>
    %get3A_141 = vector.shape_cast %get3A_140 : vector<1x32x1024xf32> to vector<32x1024xf32>
    %mul3A_142 = arith.mulf %get3A_141, %get3A_141 : vector<32x1024xf32>
    %reduce_sum3A_143 = arith.constant dense<0.000000e+00> : vector<1024xf32>
    %reduce_sum3A_144 = vector.multi_reduction <add>, %mul3A_142, %reduce_sum3A_143 [0] : vector<32x1024xf32> to vector<1024xf32>
    %broadcast_in_dim3A_145 = vector.shape_cast %reduce_sum3A_144 : vector<1024xf32> to vector<1x1024xf32>
    %sqrt3A_146 = math.sqrt %broadcast_in_dim3A_145 : vector<1x1024xf32>
    %max3A_147 = arith.constant 9.99999996E-13 : f32
    %max3A_148 = vector.broadcast %max3A_147 : f32 to vector<1x1024xf32>
    %max3A_149 = arith.maximumf %sqrt3A_146, %max3A_148 : vector<1x1024xf32>
    %div3A_150 = vector.broadcast %max3A_149 : vector<1x1024xf32> to vector<32x1024xf32>
    %div3A_151 = arith.divf %get3A_141, %div3A_150 : vector<32x1024xf32>
    %convert_element_type3A_152 = arith.truncf %div3A_151 : vector<32x1024xf32> to vector<32x1024xbf16>
    %dot_general3A_153 = arith.constant dense<0.000000e+00> : vector<512x1024xf32>
    %dot_general3A_154 = tpu.matmul %convert_element_type3A, %convert_element_type3A_152, %dot_general3A_153 {dimension_numbers = #tpu.dot_dimension_numbers<[0], [0], [1], [1], [0, 1, 1, 1], [], []>, transpose_lhs_hint = false} : vector<32x512xbf16>, vector<32x1024xbf16>, vector<512x1024xf32> -> vector<512x1024xf32>
    %argmax3A_155 = tpu.reduce_index %dot_general3A_154 {axis = 0 : i32, kind = #tpu.reduction_kind<arg_max>} : vector<512x1024xf32> -> vector<1024xi32>
    %swap3A_156 = arith.constant 6 : index
    %swap3A_157 = arith.constant 0 : index
    %swap3A_158 = vector.load %arg3[%swap3A_156, %swap3A_157] : memref<32x1024xi32, #tpu.memory_space<vmem>>, vector<1x1024xi32>
    %swap3A_159 = vector.shape_cast %swap3A_158 : vector<1x1024xi32> to vector<1024xi32>
    %swap3A_160 = vector.shape_cast %argmax3A_155 : vector<1024xi32> to vector<1x1024xi32>
    tpu.vector_store %arg3[%swap3A_156, %swap3A_157], %swap3A_160 {strides = array<i32>} : memref<32x1024xi32, #tpu.memory_space<vmem>>, vector<1x1024xi32>,
    %get3A_161 = arith.constant 7 : index
    %get3A_162 = arith.constant 0 : index
    %get3A_163 = arith.constant 0 : index
    %get3A_164 = vector.load %arg1[%get3A_161, %get3A_162, %get3A_163] : memref<32x32x1024xf32, #tpu.memory_space<vmem>>, vector<1x32x1024xf32>
    %get3A_165 = vector.shape_cast %get3A_164 : vector<1x32x1024xf32> to vector<32x1024xf32>
    %mul3A_166 = arith.mulf %get3A_165, %get3A_165 : vector<32x1024xf32>
    %reduce_sum3A_167 = arith.constant dense<0.000000e+00> : vector<1024xf32>
    %reduce_sum3A_168 = vector.multi_reduction <add>, %mul3A_166, %reduce_sum3A_167 [0] : vector<32x1024xf32> to vector<1024xf32>
    %broadcast_in_dim3A_169 = vector.shape_cast %reduce_sum3A_168 : vector<1024xf32> to vector<1x1024xf32>
    %sqrt3A_170 = math.sqrt %broadcast_in_dim3A_169 : vector<1x1024xf32>
    %max3A_171 = arith.constant 9.99999996E-13 : f32
    %max3A_172 = vector.broadcast %max3A_171 : f32 to vector<1x1024xf32>
    %max3A_173 = arith.maximumf %sqrt3A_170, %max3A_172 : vector<1x1024xf32>
    %div3A_174 = vector.broadcast %max3A_173 : vector<1x1024xf32> to vector<32x1024xf32>
    %div3A_175 = arith.divf %get3A_165, %div3A_174 : vector<32x1024xf32>
    %convert_element_type3A_176 = arith.truncf %div3A_175 : vector<32x1024xf32> to vector<32x1024xbf16>
    %dot_general3A_177 = arith.constant dense<0.000000e+00> : vector<512x1024xf32>
    %dot_general3A_178 = tpu.matmul %convert_element_type3A, %convert_element_type3A_176, %dot_general3A_177 {dimension_numbers = #tpu.dot_dimension_numbers<[0], [0], [1], [1], [0, 1, 1, 1], [], []>, transpose_lhs_hint = false} : vector<32x512xbf16>, vector<32x1024xbf16>, vector<512x1024xf32> -> vector<512x1024xf32>
    %argmax3A_179 = tpu.reduce_index %dot_general3A_178 {axis = 0 : i32, kind = #tpu.reduction_kind<arg_max>} : vector<512x1024xf32> -> vector<1024xi32>
    %swap3A_180 = arith.constant 7 : index
    %swap3A_181 = arith.constant 0 : index
    %swap3A_182 = vector.load %arg3[%swap3A_180, %swap3A_181] : memref<32x1024xi32, #tpu.memory_space<vmem>>, vector<1x1024xi32>
    %swap3A_183 = vector.shape_cast %swap3A_182 : vector<1x1024xi32> to vector<1024xi32>
    %swap3A_184 = vector.shape_cast %argmax3A_179 : vector<1024xi32> to vector<1x1024xi32>
    tpu.vector_store %arg3[%swap3A_180, %swap3A_181], %swap3A_184 {strides = array<i32>} : memref<32x1024xi32, #tpu.memory_space<vmem>>, vector<1x1024xi32>,
    %get3A_185 = arith.constant 8 : index
    %get3A_186 = arith.constant 0 : index
    %get3A_187 = arith.constant 0 : index
    %get3A_188 = vector.load %arg1[%get3A_185, %get3A_186, %get3A_187] : memref<32x32x1024xf32, #tpu.memory_space<vmem>>, vector<1x32x1024xf32>
    %get3A_189 = vector.shape_cast %get3A_188 : vector<1x32x1024xf32> to vector<32x1024xf32>
    %mul3A_190 = arith.mulf %get3A_189, %get3A_189 : vector<32x1024xf32>
    %reduce_sum3A_191 = arith.constant dense<0.000000e+00> : vector<1024xf32>
    %reduce_sum3A_192 = vector.multi_reduction <add>, %mul3A_190, %reduce_sum3A_191 [0] : vector<32x1024xf32> to vector<1024xf32>
    %broadcast_in_dim3A_193 = vector.shape_cast %reduce_sum3A_192 : vector<1024xf32> to vector<1x1024xf32>
    %sqrt3A_194 = math.sqrt %broadcast_in_dim3A_193 : vector<1x1024xf32>
    %max3A_195 = arith.constant 9.99999996E-13 : f32
    %max3A_196 = vector.broadcast %max3A_195 : f32 to vector<1x1024xf32>
    %max3A_197 = arith.maximumf %sqrt3A_194, %max3A_196 : vector<1x1024xf32>
    %div3A_198 = vector.broadcast %max3A_197 : vector<1x1024xf32> to vector<32x1024xf32>
    %div3A_199 = arith.divf %get3A_189, %div3A_198 : vector<32x1024xf32>
    %convert_element_type3A_200 = arith.truncf %div3A_199 : vector<32x1024xf32> to vector<32x1024xbf16>
    %dot_general3A_201 = arith.constant dense<0.000000e+00> : vector<512x1024xf32>
    %dot_general3A_202 = tpu.matmul %convert_element_type3A, %convert_element_type3A_200, %dot_general3A_201 {dimension_numbers = #tpu.dot_dimension_numbers<[0], [0], [1], [1], [0, 1, 1, 1], [], []>, transpose_lhs_hint = false} : vector<32x512xbf16>, vector<32x1024xbf16>, vector<512x1024xf32> -> vector<512x1024xf32>
    %argmax3A_203 = tpu.reduce_index %dot_general3A_202 {axis = 0 : i32, kind = #tpu.reduction_kind<arg_max>} : vector<512x1024xf32> -> vector<1024xi32>
    %swap3A_204 = arith.constant 8 : index
    %swap3A_205 = arith.constant 0 : index
    %swap3A_206 = vector.load %arg3[%swap3A_204, %swap3A_205] : memref<32x1024xi32, #tpu.memory_space<vmem>>, vector<1x1024xi32>
    %swap3A_207 = vector.shape_cast %swap3A_206 : vector<1x1024xi32> to vector<1024xi32>
    %swap3A_208 = vector.shape_cast %argmax3A_203 : vector<1024xi32> to vector<1x1024xi32>
    tpu.vector_store %arg3[%swap3A_204, %swap3A_205], %swap3A_208 {strides = array<i32>} : memref<32x1024xi32, #tpu.memory_space<vmem>>, vector<1x1024xi32>,
    %get3A_209 = arith.constant 9 : index
    %get3A_210 = arith.constant 0 : index
    %get3A_211 = arith.constant 0 : index
    %get3A_212 = vector.load %arg1[%get3A_209, %get3A_210, %get3A_211] : memref<32x32x1024xf32, #tpu.memory_space<vmem>>, vector<1x32x1024xf32>
    %get3A_213 = vector.shape_cast %get3A_212 : vector<1x32x1024xf32> to vector<32x1024xf32>
    %mul3A_214 = arith.mulf %get3A_213, %get3A_213 : vector<32x1024xf32>
    %reduce_sum3A_215 = arith.constant dense<0.000000e+00> : vector<1024xf32>
    %reduce_sum3A_216 = vector.multi_reduction <add>, %mul3A_214, %reduce_sum3A_215 [0] : vector<32x1024xf32> to vector<1024xf32>
    %broadcast_in_dim3A_217 = vector.shape_cast %reduce_sum3A_216 : vector<1024xf32> to vector<1x1024xf32>
    %sqrt3A_218 = math.sqrt %broadcast_in_dim3A_217 : vector<1x1024xf32>
    %max3A_219 = arith.constant 9.99999996E-13 : f32
    %max3A_220 = vector.broadcast %max3A_219 : f32 to vector<1x1024xf32>
    %max3A_221 = arith.maximumf %sqrt3A_218, %max3A_220 : vector<1x1024xf32>
    %div3A_222 = vector.broadcast %max3A_221 : vector<1x1024xf32> to vector<32x1024xf32>
    %div3A_223 = arith.divf %get3A_213, %div3A_222 : vector<32x1024xf32>
    %convert_element_type3A_224 = arith.truncf %div3A_223 : vector<32x1024xf32> to vector<32x1024xbf16>
    %dot_general3A_225 = arith.constant dense<0.000000e+00> : vector<512x1024xf32>
    %dot_general3A_226 = tpu.matmul %convert_element_type3A, %convert_element_type3A_224, %dot_general3A_225 {dimension_numbers = #tpu.dot_dimension_numbers<[0], [0], [1], [1], [0, 1, 1, 1], [], []>, transpose_lhs_hint = false} : vector<32x512xbf16>, vector<32x1024xbf16>, vector<512x1024xf32> -> vector<512x1024xf32>
    %argmax3A_227 = tpu.reduce_index %dot_general3A_226 {axis = 0 : i32, kind = #tpu.reduction_kind<arg_max>} : vector<512x1024xf32> -> vector<1024xi32>
    %swap3A_228 = arith.constant 9 : index
    %swap3A_229 = arith.constant 0 : index
    %swap3A_230 = vector.load %arg3[%swap3A_228, %swap3A_229] : memref<32x1024xi32, #tpu.memory_space<vmem>>, vector<1x1024xi32>
    %swap3A_231 = vector.shape_cast %swap3A_230 : vector<1x1024xi32> to vector<1024xi32>
    %swap3A_232 = vector.shape_cast %argmax3A_227 : vector<1024xi32> to vector<1x1024xi32>
    tpu.vector_store %arg3[%swap3A_228, %swap3A_229], %swap3A_232 {strides = array<i32>} : memref<32x1024xi32, #tpu.memory_space<vmem>>, vector<1x1024xi32>,
    %get3A_233 = arith.constant 10 : index
    %get3A_234 = arith.constant 0 : index
    %get3A_235 = arith.constant 0 : index
    %get3A_236 = vector.load %arg1[%get3A_233, %get3A_234, %get3A_235] : memref<32x32x1024xf32, #tpu.memory_space<vmem>>, vector<1x32x1024xf32>
    %get3A_237 = vector.shape_cast %get3A_236 : vector<1x32x1024xf32> to vector<32x1024xf32>
    %mul3A_238 = arith.mulf %get3A_237, %get3A_237 : vector<32x1024xf32>
    %reduce_sum3A_239 = arith.constant dense<0.000000e+00> : vector<1024xf32>
    %reduce_sum3A_240 = vector.multi_reduction <add>, %mul3A_238, %reduce_sum3A_239 [0] : vector<32x1024xf32> to vector<1024xf32>
    %broadcast_in_dim3A_241 = vector.shape_cast %reduce_sum3A_240 : vector<1024xf32> to vector<1x1024xf32>
    %sqrt3A_242 = math.sqrt %broadcast_in_dim3A_241 : vector<1x1024xf32>
    %max3A_243 = arith.constant 9.99999996E-13 : f32
    %max3A_244 = vector.broadcast %max3A_243 : f32 to vector<1x1024xf32>
    %max3A_245 = arith.maximumf %sqrt3A_242, %max3A_244 : vector<1x1024xf32>
    %div3A_246 = vector.broadcast %max3A_245 : vector<1x1024xf32> to vector<32x1024xf32>
    %div3A_247 = arith.divf %get3A_237, %div3A_246 : vector<32x1024xf32>
    %convert_element_type3A_248 = arith.truncf %div3A_247 : vector<32x1024xf32> to vector<32x1024xbf16>
    %dot_general3A_249 = arith.constant dense<0.000000e+00> : vector<512x1024xf32>
    %dot_general3A_250 = tpu.matmul %convert_element_type3A, %convert_element_type3A_248, %dot_general3A_249 {dimension_numbers = #tpu.dot_dimension_numbers<[0], [0], [1], [1], [0, 1, 1, 1], [], []>, transpose_lhs_hint = false} : vector<32x512xbf16>, vector<32x1024xbf16>, vector<512x1024xf32> -> vector<512x1024xf32>
    %argmax3A_251 = tpu.reduce_index %dot_general3A_250 {axis = 0 : i32, kind = #tpu.reduction_kind<arg_max>} : vector<512x1024xf32> -> vector<1024xi32>
    %swap3A_252 = arith.constant 10 : index
    %swap3A_253 = arith.constant 0 : index
    %swap3A_254 = vector.load %arg3[%swap3A_252, %swap3A_253] : memref<32x1024xi32, #tpu.memory_space<vmem>>, vector<1x1024xi32>
    %swap3A_255 = vector.shape_cast %swap3A_254 : vector<1x1024xi32> to vector<1024xi32>
    %swap3A_256 = vector.shape_cast %argmax3A_251 : vector<1024xi32> to vector<1x1024xi32>
    tpu.vector_store %arg3[%swap3A_252, %swap3A_253], %swap3A_256 {strides = array<i32>} : memref<32x1024xi32, #tpu.memory_space<vmem>>, vector<1x1024xi32>,
    %get3A_257 = arith.constant 11 : index
    %get3A_258 = arith.constant 0 : index
    %get3A_259 = arith.constant 0 : index
    %get3A_260 = vector.load %arg1[%get3A_257, %get3A_258, %get3A_259] : memref<32x32x1024xf32, #tpu.memory_space<vmem>>, vector<1x32x1024xf32>
    %get3A_261 = vector.shape_cast %get3A_260 : vector<1x32x1024xf32> to vector<32x1024xf32>
    %mul3A_262 = arith.mulf %get3A_261, %get3A_261 : vector<32x1024xf32>
    %reduce_sum3A_263 = arith.constant dense<0.000000e+00> : vector<1024xf32>
    %reduce_sum3A_264 = vector.multi_reduction <add>, %mul3A_262, %reduce_sum3A_263 [0] : vector<32x1024xf32> to vector<1024xf32>
    %broadcast_in_dim3A_265 = vector.shape_cast %reduce_sum3A_264 : vector<1024xf32> to vector<1x1024xf32>
    %sqrt3A_266 = math.sqrt %broadcast_in_dim3A_265 : vector<1x1024xf32>
    %max3A_267 = arith.constant 9.99999996E-13 : f32
    %max3A_268 = vector.broadcast %max3A_267 : f32 to vector<1x1024xf32>
    %max3A_269 = arith.maximumf %sqrt3A_266, %max3A_268 : vector<1x1024xf32>
    %div3A_270 = vector.broadcast %max3A_269 : vector<1x1024xf32> to vector<32x1024xf32>
    %div3A_271 = arith.divf %get3A_261, %div3A_270 : vector<32x1024xf32>
    %convert_element_type3A_272 = arith.truncf %div3A_271 : vector<32x1024xf32> to vector<32x1024xbf16>
    %dot_general3A_273 = arith.constant dense<0.000000e+00> : vector<512x1024xf32>
    %dot_general3A_274 = tpu.matmul %convert_element_type3A, %convert_element_type3A_272, %dot_general3A_273 {dimension_numbers = #tpu.dot_dimension_numbers<[0], [0], [1], [1], [0, 1, 1, 1], [], []>, transpose_lhs_hint = false} : vector<32x512xbf16>, vector<32x1024xbf16>, vector<512x1024xf32> -> vector<512x1024xf32>
    %argmax3A_275 = tpu.reduce_index %dot_general3A_274 {axis = 0 : i32, kind = #tpu.reduction_kind<arg_max>} : vector<512x1024xf32> -> vector<1024xi32>
    %swap3A_276 = arith.constant 11 : index
    %swap3A_277 = arith.constant 0 : index
    %swap3A_278 = vector.load %arg3[%swap3A_276, %swap3A_277] : memref<32x1024xi32, #tpu.memory_space<vmem>>, vector<1x1024xi32>
    %swap3A_279 = vector.shape_cast %swap3A_278 : vector<1x1024xi32> to vector<1024xi32>
    %swap3A_280 = vector.shape_cast %argmax3A_275 : vector<1024xi32> to vector<1x1024xi32>
    tpu.vector_store %arg3[%swap3A_276, %swap3A_277], %swap3A_280 {strides = array<i32>} : memref<32x1024xi32, #tpu.memory_space<vmem>>, vector<1x1024xi32>,
    %get3A_281 = arith.constant 12 : index
    %get3A_282 = arith.constant 0 : index
    %get3A_283 = arith.constant 0 : index
    %get3A_284 = vector.load %arg1[%get3A_281, %get3A_282, %get3A_283] : memref<32x32x1024xf32, #tpu.memory_space<vmem>>, vector<1x32x1024xf32>
    %get3A_285 = vector.shape_cast %get3A_284 : vector<1x32x1024xf32> to vector<32x1024xf32>
    %mul3A_286 = arith.mulf %get3A_285, %get3A_285 : vector<32x1024xf32>
    %reduce_sum3A_287 = arith.constant dense<0.000000e+00> : vector<1024xf32>
    %reduce_sum3A_288 = vector.multi_reduction <add>, %mul3A_286, %reduce_sum3A_287 [0] : vector<32x1024xf32> to vector<1024xf32>
    %broadcast_in_dim3A_289 = vector.shape_cast %reduce_sum3A_288 : vector<1024xf32> to vector<1x1024xf32>
    %sqrt3A_290 = math.sqrt %broadcast_in_dim3A_289 : vector<1x1024xf32>
    %max3A_291 = arith.constant 9.99999996E-13 : f32
    %max3A_292 = vector.broadcast %max3A_291 : f32 to vector<1x1024xf32>
    %max3A_293 = arith.maximumf %sqrt3A_290, %max3A_292 : vector<1x1024xf32>
    %div3A_294 = vector.broadcast %max3A_293 : vector<1x1024xf32> to vector<32x1024xf32>
    %div3A_295 = arith.divf %get3A_285, %div3A_294 : vector<32x1024xf32>
    %convert_element_type3A_296 = arith.truncf %div3A_295 : vector<32x1024xf32> to vector<32x1024xbf16>
    %dot_general3A_297 = arith.constant dense<0.000000e+00> : vector<512x1024xf32>
    %dot_general3A_298 = tpu.matmul %convert_element_type3A, %convert_element_type3A_296, %dot_general3A_297 {dimension_numbers = #tpu.dot_dimension_numbers<[0], [0], [1], [1], [0, 1, 1, 1], [], []>, transpose_lhs_hint = false} : vector<32x512xbf16>, vector<32x1024xbf16>, vector<512x1024xf32> -> vector<512x1024xf32>
    %argmax3A_299 = tpu.reduce_index %dot_general3A_298 {axis = 0 : i32, kind = #tpu.reduction_kind<arg_max>} : vector<512x1024xf32> -> vector<1024xi32>
    %swap3A_300 = arith.constant 12 : index
    %swap3A_301 = arith.constant 0 : index
    %swap3A_302 = vector.load %arg3[%swap3A_300, %swap3A_301] : memref<32x1024xi32, #tpu.memory_space<vmem>>, vector<1x1024xi32>
    %swap3A_303 = vector.shape_cast %swap3A_302 : vector<1x1024xi32> to vector<1024xi32>
    %swap3A_304 = vector.shape_cast %argmax3A_299 : vector<1024xi32> to vector<1x1024xi32>
    tpu.vector_store %arg3[%swap3A_300, %swap3A_301], %swap3A_304 {strides = array<i32>} : memref<32x1024xi32, #tpu.memory_space<vmem>>, vector<1x1024xi32>,
    %get3A_305 = arith.constant 13 : index
    %get3A_306 = arith.constant 0 : index
    %get3A_307 = arith.constant 0 : index
    %get3A_308 = vector.load %arg1[%get3A_305, %get3A_306, %get3A_307] : memref<32x32x1024xf32, #tpu.memory_space<vmem>>, vector<1x32x1024xf32>
    %get3A_309 = vector.shape_cast %get3A_308 : vector<1x32x1024xf32> to vector<32x1024xf32>
    %mul3A_310 = arith.mulf %get3A_309, %get3A_309 : vector<32x1024xf32>
    %reduce_sum3A_311 = arith.constant dense<0.000000e+00> : vector<1024xf32>
    %reduce_sum3A_312 = vector.multi_reduction <add>, %mul3A_310, %reduce_sum3A_311 [0] : vector<32x1024xf32> to vector<1024xf32>
    %broadcast_in_dim3A_313 = vector.shape_cast %reduce_sum3A_312 : vector<1024xf32> to vector<1x1024xf32>
    %sqrt3A_314 = math.sqrt %broadcast_in_dim3A_313 : vector<1x1024xf32>
    %max3A_315 = arith.constant 9.99999996E-13 : f32
    %max3A_316 = vector.broadcast %max3A_315 : f32 to vector<1x1024xf32>
    %max3A_317 = arith.maximumf %sqrt3A_314, %max3A_316 : vector<1x1024xf32>
    %div3A_318 = vector.broadcast %max3A_317 : vector<1x1024xf32> to vector<32x1024xf32>
    %div3A_319 = arith.divf %get3A_309, %div3A_318 : vector<32x1024xf32>
    %convert_element_type3A_320 = arith.truncf %div3A_319 : vector<32x1024xf32> to vector<32x1024xbf16>
    %dot_general3A_321 = arith.constant dense<0.000000e+00> : vector<512x1024xf32>
    %dot_general3A_322 = tpu.matmul %convert_element_type3A, %convert_element_type3A_320, %dot_general3A_321 {dimension_numbers = #tpu.dot_dimension_numbers<[0], [0], [1], [1], [0, 1, 1, 1], [], []>, transpose_lhs_hint = false} : vector<32x512xbf16>, vector<32x1024xbf16>, vector<512x1024xf32> -> vector<512x1024xf32>
    %argmax3A_323 = tpu.reduce_index %dot_general3A_322 {axis = 0 : i32, kind = #tpu.reduction_kind<arg_max>} : vector<512x1024xf32> -> vector<1024xi32>
    %swap3A_324 = arith.constant 13 : index
    %swap3A_325 = arith.constant 0 : index
    %swap3A_326 = vector.load %arg3[%swap3A_324, %swap3A_325] : memref<32x1024xi32, #tpu.memory_space<vmem>>, vector<1x1024xi32>
    %swap3A_327 = vector.shape_cast %swap3A_326 : vector<1x1024xi32> to vector<1024xi32>
    %swap3A_328 = vector.shape_cast %argmax3A_323 : vector<1024xi32> to vector<1x1024xi32>
    tpu.vector_store %arg3[%swap3A_324, %swap3A_325], %swap3A_328 {strides = array<i32>} : memref<32x1024xi32, #tpu.memory_space<vmem>>, vector<1x1024xi32>,
    %get3A_329 = arith.constant 14 : index
    %get3A_330 = arith.constant 0 : index
    %get3A_331 = arith.constant 0 : index
    %get3A_332 = vector.load %arg1[%get3A_329, %get3A_330, %get3A_331] : memref<32x32x1024xf32, #tpu.memory_space<vmem>>, vector<1x32x1024xf32>
    %get3A_333 = vector.shape_cast %get3A_332 : vector<1x32x1024xf32> to vector<32x1024xf32>
    %mul3A_334 = arith.mulf %get3A_333, %get3A_333 : vector<32x1024xf32>
    %reduce_sum3A_335 = arith.constant dense<0.000000e+00> : vector<1024xf32>
    %reduce_sum3A_336 = vector.multi_reduction <add>, %mul3A_334, %reduce_sum3A_335 [0] : vector<32x1024xf32> to vector<1024xf32>
    %broadcast_in_dim3A_337 = vector.shape_cast %reduce_sum3A_336 : vector<1024xf32> to vector<1x1024xf32>
    %sqrt3A_338 = math.sqrt %broadcast_in_dim3A_337 : vector<1x1024xf32>
    %max3A_339 = arith.constant 9.99999996E-13 : f32
    %max3A_340 = vector.broadcast %max3A_339 : f32 to vector<1x1024xf32>
    %max3A_341 = arith.maximumf %sqrt3A_338, %max3A_340 : vector<1x1024xf32>
    %div3A_342 = vector.broadcast %max3A_341 : vector<1x1024xf32> to vector<32x1024xf32>
    %div3A_343 = arith.divf %get3A_333, %div3A_342 : vector<32x1024xf32>
    %convert_element_type3A_344 = arith.truncf %div3A_343 : vector<32x1024xf32> to vector<32x1024xbf16>
    %dot_general3A_345 = arith.constant dense<0.000000e+00> : vector<512x1024xf32>
    %dot_general3A_346 = tpu.matmul %convert_element_type3A, %convert_element_type3A_344, %dot_general3A_345 {dimension_numbers = #tpu.dot_dimension_numbers<[0], [0], [1], [1], [0, 1, 1, 1], [], []>, transpose_lhs_hint = false} : vector<32x512xbf16>, vector<32x1024xbf16>, vector<512x1024xf32> -> vector<512x1024xf32>
    %argmax3A_347 = tpu.reduce_index %dot_general3A_346 {axis = 0 : i32, kind = #tpu.reduction_kind<arg_max>} : vector<512x1024xf32> -> vector<1024xi32>
    %swap3A_348 = arith.constant 14 : index
    %swap3A_349 = arith.constant 0 : index
    %swap3A_350 = vector.load %arg3[%swap3A_348, %swap3A_349] : memref<32x1024xi32, #tpu.memory_space<vmem>>, vector<1x1024xi32>
    %swap3A_351 = vector.shape_cast %swap3A_350 : vector<1x1024xi32> to vector<1024xi32>
    %swap3A_352 = vector.shape_cast %argmax3A_347 : vector<1024xi32> to vector<1x1024xi32>
    tpu.vector_store %arg3[%swap3A_348, %swap3A_349], %swap3A_352 {strides = array<i32>} : memref<32x1024xi32, #tpu.memory_space<vmem>>, vector<1x1024xi32>,
    %get3A_353 = arith.constant 15 : index
    %get3A_354 = arith.constant 0 : index
    %get3A_355 = arith.constant 0 : index
    %get3A_356 = vector.load %arg1[%get3A_353, %get3A_354, %get3A_355] : memref<32x32x1024xf32, #tpu.memory_space<vmem>>, vector<1x32x1024xf32>
    %get3A_357 = vector.shape_cast %get3A_356 : vector<1x32x1024xf32> to vector<32x1024xf32>
    %mul3A_358 = arith.mulf %get3A_357, %get3A_357 : vector<32x1024xf32>
    %reduce_sum3A_359 = arith.constant dense<0.000000e+00> : vector<1024xf32>
    %reduce_sum3A_360 = vector.multi_reduction <add>, %mul3A_358, %reduce_sum3A_359 [0] : vector<32x1024xf32> to vector<1024xf32>
    %broadcast_in_dim3A_361 = vector.shape_cast %reduce_sum3A_360 : vector<1024xf32> to vector<1x1024xf32>
    %sqrt3A_362 = math.sqrt %broadcast_in_dim3A_361 : vector<1x1024xf32>
    %max3A_363 = arith.constant 9.99999996E-13 : f32
    %max3A_364 = vector.broadcast %max3A_363 : f32 to vector<1x1024xf32>
    %max3A_365 = arith.maximumf %sqrt3A_362, %max3A_364 : vector<1x1024xf32>
    %div3A_366 = vector.broadcast %max3A_365 : vector<1x1024xf32> to vector<32x1024xf32>
    %div3A_367 = arith.divf %get3A_357, %div3A_366 : vector<32x1024xf32>
    %convert_element_type3A_368 = arith.truncf %div3A_367 : vector<32x1024xf32> to vector<32x1024xbf16>
    %dot_general3A_369 = arith.constant dense<0.000000e+00> : vector<512x1024xf32>
    %dot_general3A_370 = tpu.matmul %convert_element_type3A, %convert_element_type3A_368, %dot_general3A_369 {dimension_numbers = #tpu.dot_dimension_numbers<[0], [0], [1], [1], [0, 1, 1, 1], [], []>, transpose_lhs_hint = false} : vector<32x512xbf16>, vector<32x1024xbf16>, vector<512x1024xf32> -> vector<512x1024xf32>
    %argmax3A_371 = tpu.reduce_index %dot_general3A_370 {axis = 0 : i32, kind = #tpu.reduction_kind<arg_max>} : vector<512x1024xf32> -> vector<1024xi32>
    %swap3A_372 = arith.constant 15 : index
    %swap3A_373 = arith.constant 0 : index
    %swap3A_374 = vector.load %arg3[%swap3A_372, %swap3A_373] : memref<32x1024xi32, #tpu.memory_space<vmem>>, vector<1x1024xi32>
    %swap3A_375 = vector.shape_cast %swap3A_374 : vector<1x1024xi32> to vector<1024xi32>
    %swap3A_376 = vector.shape_cast %argmax3A_371 : vector<1024xi32> to vector<1x1024xi32>
    tpu.vector_store %arg3[%swap3A_372, %swap3A_373], %swap3A_376 {strides = array<i32>} : memref<32x1024xi32, #tpu.memory_space<vmem>>, vector<1x1024xi32>,
    %get3A_377 = arith.constant 16 : index
    %get3A_378 = arith.constant 0 : index
    %get3A_379 = arith.constant 0 : index
    %get3A_380 = vector.load %arg1[%get3A_377, %get3A_378, %get3A_379] : memref<32x32x1024xf32, #tpu.memory_space<vmem>>, vector<1x32x1024xf32>
    %get3A_381 = vector.shape_cast %get3A_380 : vector<1x32x1024xf32> to vector<32x1024xf32>
    %mul3A_382 = arith.mulf %get3A_381, %get3A_381 : vector<32x1024xf32>
    %reduce_sum3A_383 = arith.constant dense<0.000000e+00> : vector<1024xf32>
    %reduce_sum3A_384 = vector.multi_reduction <add>, %mul3A_382, %reduce_sum3A_383 [0] : vector<32x1024xf32> to vector<1024xf32>
    %broadcast_in_dim3A_385 = vector.shape_cast %reduce_sum3A_384 : vector<1024xf32> to vector<1x1024xf32>
    %sqrt3A_386 = math.sqrt %broadcast_in_dim3A_385 : vector<1x1024xf32>
    %max3A_387 = arith.constant 9.99999996E-13 : f32
    %max3A_388 = vector.broadcast %max3A_387 : f32 to vector<1x1024xf32>
    %max3A_389 = arith.maximumf %sqrt3A_386, %max3A_388 : vector<1x1024xf32>
    %div3A_390 = vector.broadcast %max3A_389 : vector<1x1024xf32> to vector<32x1024xf32>
    %div3A_391 = arith.divf %get3A_381, %div3A_390 : vector<32x1024xf32>
    %convert_element_type3A_392 = arith.truncf %div3A_391 : vector<32x1024xf32> to vector<32x1024xbf16>
    %dot_general3A_393 = arith.constant dense<0.000000e+00> : vector<512x1024xf32>
    %dot_general3A_394 = tpu.matmul %convert_element_type3A, %convert_element_type3A_392, %dot_general3A_393 {dimension_numbers = #tpu.dot_dimension_numbers<[0], [0], [1], [1], [0, 1, 1, 1], [], []>, transpose_lhs_hint = false} : vector<32x512xbf16>, vector<32x1024xbf16>, vector<512x1024xf32> -> vector<512x1024xf32>
    %argmax3A_395 = tpu.reduce_index %dot_general3A_394 {axis = 0 : i32, kind = #tpu.reduction_kind<arg_max>} : vector<512x1024xf32> -> vector<1024xi32>
    %swap3A_396 = arith.constant 16 : index
    %swap3A_397 = arith.constant 0 : index
    %swap3A_398 = vector.load %arg3[%swap3A_396, %swap3A_397] : memref<32x1024xi32, #tpu.memory_space<vmem>>, vector<1x1024xi32>
    %swap3A_399 = vector.shape_cast %swap3A_398 : vector<1x1024xi32> to vector<1024xi32>
    %swap3A_400 = vector.shape_cast %argmax3A_395 : vector<1024xi32> to vector<1x1024xi32>
    tpu.vector_store %arg3[%swap3A_396, %swap3A_397], %swap3A_400 {strides = array<i32>} : memref<32x1024xi32, #tpu.memory_space<vmem>>, vector<1x1024xi32>,
    %get3A_401 = arith.constant 17 : index
    %get3A_402 = arith.constant 0 : index
    %get3A_403 = arith.constant 0 : index
    %get3A_404 = vector.load %arg1[%get3A_401, %get3A_402, %get3A_403] : memref<32x32x1024xf32, #tpu.memory_space<vmem>>, vector<1x32x1024xf32>
    %get3A_405 = vector.shape_cast %get3A_404 : vector<1x32x1024xf32> to vector<32x1024xf32>
    %mul3A_406 = arith.mulf %get3A_405, %get3A_405 : vector<32x1024xf32>
    %reduce_sum3A_407 = arith.constant dense<0.000000e+00> : vector<1024xf32>
    %reduce_sum3A_408 = vector.multi_reduction <add>, %mul3A_406, %reduce_sum3A_407 [0] : vector<32x1024xf32> to vector<1024xf32>
    %broadcast_in_dim3A_409 = vector.shape_cast %reduce_sum3A_408 : vector<1024xf32> to vector<1x1024xf32>
    %sqrt3A_410 = math.sqrt %broadcast_in_dim3A_409 : vector<1x1024xf32>
    %max3A_411 = arith.constant 9.99999996E-13 : f32
    %max3A_412 = vector.broadcast %max3A_411 : f32 to vector<1x1024xf32>
    %max3A_413 = arith.maximumf %sqrt3A_410, %max3A_412 : vector<1x1024xf32>
    %div3A_414 = vector.broadcast %max3A_413 : vector<1x1024xf32> to vector<32x1024xf32>
    %div3A_415 = arith.divf %get3A_405, %div3A_414 : vector<32x1024xf32>
    %convert_element_type3A_416 = arith.truncf %div3A_415 : vector<32x1024xf32> to vector<32x1024xbf16>
    %dot_general3A_417 = arith.constant dense<0.000000e+00> : vector<512x1024xf32>
    %dot_general3A_418 = tpu.matmul %convert_element_type3A, %convert_element_type3A_416, %dot_general3A_417 {dimension_numbers = #tpu.dot_dimension_numbers<[0], [0], [1], [1], [0, 1, 1, 1], [], []>, transpose_lhs_hint = false} : vector<32x512xbf16>, vector<32x1024xbf16>, vector<512x1024xf32> -> vector<512x1024xf32>
    %argmax3A_419 = tpu.reduce_index %dot_general3A_418 {axis = 0 : i32, kind = #tpu.reduction_kind<arg_max>} : vector<512x1024xf32> -> vector<1024xi32>
    %swap3A_420 = arith.constant 17 : index
    %swap3A_421 = arith.constant 0 : index
    %swap3A_422 = vector.load %arg3[%swap3A_420, %swap3A_421] : memref<32x1024xi32, #tpu.memory_space<vmem>>, vector<1x1024xi32>
    %swap3A_423 = vector.shape_cast %swap3A_422 : vector<1x1024xi32> to vector<1024xi32>
    %swap3A_424 = vector.shape_cast %argmax3A_419 : vector<1024xi32> to vector<1x1024xi32>
    tpu.vector_store %arg3[%swap3A_420, %swap3A_421], %swap3A_424 {strides = array<i32>} : memref<32x1024xi32, #tpu.memory_space<vmem>>, vector<1x1024xi32>,
    %get3A_425 = arith.constant 18 : index
    %get3A_426 = arith.constant 0 : index
    %get3A_427 = arith.constant 0 : index
    %get3A_428 = vector.load %arg1[%get3A_425, %get3A_426, %get3A_427] : memref<32x32x1024xf32, #tpu.memory_space<vmem>>, vector<1x32x1024xf32>
    %get3A_429 = vector.shape_cast %get3A_428 : vector<1x32x1024xf32> to vector<32x1024xf32>
    %mul3A_430 = arith.mulf %get3A_429, %get3A_429 : vector<32x1024xf32>
    %reduce_sum3A_431 = arith.constant dense<0.000000e+00> : vector<1024xf32>
    %reduce_sum3A_432 = vector.multi_reduction <add>, %mul3A_430, %reduce_sum3A_431 [0] : vector<32x1024xf32> to vector<1024xf32>
    %broadcast_in_dim3A_433 = vector.shape_cast %reduce_sum3A_432 : vector<1024xf32> to vector<1x1024xf32>
    %sqrt3A_434 = math.sqrt %broadcast_in_dim3A_433 : vector<1x1024xf32>
    %max3A_435 = arith.constant 9.99999996E-13 : f32
    %max3A_436 = vector.broadcast %max3A_435 : f32 to vector<1x1024xf32>
    %max3A_437 = arith.maximumf %sqrt3A_434, %max3A_436 : vector<1x1024xf32>
    %div3A_438 = vector.broadcast %max3A_437 : vector<1x1024xf32> to vector<32x1024xf32>
    %div3A_439 = arith.divf %get3A_429, %div3A_438 : vector<32x1024xf32>
    %convert_element_type3A_440 = arith.truncf %div3A_439 : vector<32x1024xf32> to vector<32x1024xbf16>
    %dot_general3A_441 = arith.constant dense<0.000000e+00> : vector<512x1024xf32>
    %dot_general3A_442 = tpu.matmul %convert_element_type3A, %convert_element_type3A_440, %dot_general3A_441 {dimension_numbers = #tpu.dot_dimension_numbers<[0], [0], [1], [1], [0, 1, 1, 1], [], []>, transpose_lhs_hint = false} : vector<32x512xbf16>, vector<32x1024xbf16>, vector<512x1024xf32> -> vector<512x1024xf32>
    %argmax3A_443 = tpu.reduce_index %dot_general3A_442 {axis = 0 : i32, kind = #tpu.reduction_kind<arg_max>} : vector<512x1024xf32> -> vector<1024xi32>
    %swap3A_444 = arith.constant 18 : index
    %swap3A_445 = arith.constant 0 : index
    %swap3A_446 = vector.load %arg3[%swap3A_444, %swap3A_445] : memref<32x1024xi32, #tpu.memory_space<vmem>>, vector<1x1024xi32>
    %swap3A_447 = vector.shape_cast %swap3A_446 : vector<1x1024xi32> to vector<1024xi32>
    %swap3A_448 = vector.shape_cast %argmax3A_443 : vector<1024xi32> to vector<1x1024xi32>
    tpu.vector_store %arg3[%swap3A_444, %swap3A_445], %swap3A_448 {strides = array<i32>} : memref<32x1024xi32, #tpu.memory_space<vmem>>, vector<1x1024xi32>,
    %get3A_449 = arith.constant 19 : index
    %get3A_450 = arith.constant 0 : index
    %get3A_451 = arith.constant 0 : index
    %get3A_452 = vector.load %arg1[%get3A_449, %get3A_450, %get3A_451] : memref<32x32x1024xf32, #tpu.memory_space<vmem>>, vector<1x32x1024xf32>
    %get3A_453 = vector.shape_cast %get3A_452 : vector<1x32x1024xf32> to vector<32x1024xf32>
    %mul3A_454 = arith.mulf %get3A_453, %get3A_453 : vector<32x1024xf32>
    %reduce_sum3A_455 = arith.constant dense<0.000000e+00> : vector<1024xf32>
    %reduce_sum3A_456 = vector.multi_reduction <add>, %mul3A_454, %reduce_sum3A_455 [0] : vector<32x1024xf32> to vector<1024xf32>
    %broadcast_in_dim3A_457 = vector.shape_cast %reduce_sum3A_456 : vector<1024xf32> to vector<1x1024xf32>
    %sqrt3A_458 = math.sqrt %broadcast_in_dim3A_457 : vector<1x1024xf32>
    %max3A_459 = arith.constant 9.99999996E-13 : f32
    %max3A_460 = vector.broadcast %max3A_459 : f32 to vector<1x1024xf32>
    %max3A_461 = arith.maximumf %sqrt3A_458, %max3A_460 : vector<1x1024xf32>
    %div3A_462 = vector.broadcast %max3A_461 : vector<1x1024xf32> to vector<32x1024xf32>
    %div3A_463 = arith.divf %get3A_453, %div3A_462 : vector<32x1024xf32>
    %convert_element_type3A_464 = arith.truncf %div3A_463 : vector<32x1024xf32> to vector<32x1024xbf16>
    %dot_general3A_465 = arith.constant dense<0.000000e+00> : vector<512x1024xf32>
    %dot_general3A_466 = tpu.matmul %convert_element_type3A, %convert_element_type3A_464, %dot_general3A_465 {dimension_numbers = #tpu.dot_dimension_numbers<[0], [0], [1], [1], [0, 1, 1, 1], [], []>, transpose_lhs_hint = false} : vector<32x512xbf16>, vector<32x1024xbf16>, vector<512x1024xf32> -> vector<512x1024xf32>
    %argmax3A_467 = tpu.reduce_index %dot_general3A_466 {axis = 0 : i32, kind = #tpu.reduction_kind<arg_max>} : vector<512x1024xf32> -> vector<1024xi32>
    %swap3A_468 = arith.constant 19 : index
    %swap3A_469 = arith.constant 0 : index
    %swap3A_470 = vector.load %arg3[%swap3A_468, %swap3A_469] : memref<32x1024xi32, #tpu.memory_space<vmem>>, vector<1x1024xi32>
    %swap3A_471 = vector.shape_cast %swap3A_470 : vector<1x1024xi32> to vector<1024xi32>
    %swap3A_472 = vector.shape_cast %argmax3A_467 : vector<1024xi32> to vector<1x1024xi32>
    tpu.vector_store %arg3[%swap3A_468, %swap3A_469], %swap3A_472 {strides = array<i32>} : memref<32x1024xi32, #tpu.memory_space<vmem>>, vector<1x1024xi32>,
    %get3A_473 = arith.constant 20 : index
    %get3A_474 = arith.constant 0 : index
    %get3A_475 = arith.constant 0 : index
    %get3A_476 = vector.load %arg1[%get3A_473, %get3A_474, %get3A_475] : memref<32x32x1024xf32, #tpu.memory_space<vmem>>, vector<1x32x1024xf32>
    %get3A_477 = vector.shape_cast %get3A_476 : vector<1x32x1024xf32> to vector<32x1024xf32>
    %mul3A_478 = arith.mulf %get3A_477, %get3A_477 : vector<32x1024xf32>
    %reduce_sum3A_479 = arith.constant dense<0.000000e+00> : vector<1024xf32>
    %reduce_sum3A_480 = vector.multi_reduction <add>, %mul3A_478, %reduce_sum3A_479 [0] : vector<32x1024xf32> to vector<1024xf32>
    %broadcast_in_dim3A_481 = vector.shape_cast %reduce_sum3A_480 : vector<1024xf32> to vector<1x1024xf32>
    %sqrt3A_482 = math.sqrt %broadcast_in_dim3A_481 : vector<1x1024xf32>
    %max3A_483 = arith.constant 9.99999996E-13 : f32
    %max3A_484 = vector.broadcast %max3A_483 : f32 to vector<1x1024xf32>
    %max3A_485 = arith.maximumf %sqrt3A_482, %max3A_484 : vector<1x1024xf32>
    %div3A_486 = vector.broadcast %max3A_485 : vector<1x1024xf32> to vector<32x1024xf32>
    %div3A_487 = arith.divf %get3A_477, %div3A_486 : vector<32x1024xf32>
    %convert_element_type3A_488 = arith.truncf %div3A_487 : vector<32x1024xf32> to vector<32x1024xbf16>
    %dot_general3A_489 = arith.constant dense<0.000000e+00> : vector<512x1024xf32>
    %dot_general3A_490 = tpu.matmul %convert_element_type3A, %convert_element_type3A_488, %dot_general3A_489 {dimension_numbers = #tpu.dot_dimension_numbers<[0], [0], [1], [1], [0, 1, 1, 1], [], []>, transpose_lhs_hint = false} : vector<32x512xbf16>, vector<32x1024xbf16>, vector<512x1024xf32> -> vector<512x1024xf32>
    %argmax3A_491 = tpu.reduce_index %dot_general3A_490 {axis = 0 : i32, kind = #tpu.reduction_kind<arg_max>} : vector<512x1024xf32> -> vector<1024xi32>
    %swap3A_492 = arith.constant 20 : index
    %swap3A_493 = arith.constant 0 : index
    %swap3A_494 = vector.load %arg3[%swap3A_492, %swap3A_493] : memref<32x1024xi32, #tpu.memory_space<vmem>>, vector<1x1024xi32>
    %swap3A_495 = vector.shape_cast %swap3A_494 : vector<1x1024xi32> to vector<1024xi32>
    %swap3A_496 = vector.shape_cast %argmax3A_491 : vector<1024xi32> to vector<1x1024xi32>
    tpu.vector_store %arg3[%swap3A_492, %swap3A_493], %swap3A_496 {strides = array<i32>} : memref<32x1024xi32, #tpu.memory_space<vmem>>, vector<1x1024xi32>,
    %get3A_497 = arith.constant 21 : index
    %get3A_498 = arith.constant 0 : index
    %get3A_499 = arith.constant 0 : index
    %get3A_500 = vector.load %arg1[%get3A_497, %get3A_498, %get3A_499] : memref<32x32x1024xf32, #tpu.memory_space<vmem>>, vector<1x32x1024xf32>
    %get3A_501 = vector.shape_cast %get3A_500 : vector<1x32x1024xf32> to vector<32x1024xf32>
    %mul3A_502 = arith.mulf %get3A_501, %get3A_501 : vector<32x1024xf32>
    %reduce_sum3A_503 = arith.constant dense<0.000000e+00> : vector<1024xf32>
    %reduce_sum3A_504 = vector.multi_reduction <add>, %mul3A_502, %reduce_sum3A_503 [0] : vector<32x1024xf32> to vector<1024xf32>
    %broadcast_in_dim3A_505 = vector.shape_cast %reduce_sum3A_504 : vector<1024xf32> to vector<1x1024xf32>
    %sqrt3A_506 = math.sqrt %broadcast_in_dim3A_505 : vector<1x1024xf32>
    %max3A_507 = arith.constant 9.99999996E-13 : f32
    %max3A_508 = vector.broadcast %max3A_507 : f32 to vector<1x1024xf32>
    %max3A_509 = arith.maximumf %sqrt3A_506, %max3A_508 : vector<1x1024xf32>
    %div3A_510 = vector.broadcast %max3A_509 : vector<1x1024xf32> to vector<32x1024xf32>
    %div3A_511 = arith.divf %get3A_501, %div3A_510 : vector<32x1024xf32>
    %convert_element_type3A_512 = arith.truncf %div3A_511 : vector<32x1024xf32> to vector<32x1024xbf16>
    %dot_general3A_513 = arith.constant dense<0.000000e+00> : vector<512x1024xf32>
    %dot_general3A_514 = tpu.matmul %convert_element_type3A, %convert_element_type3A_512, %dot_general3A_513 {dimension_numbers = #tpu.dot_dimension_numbers<[0], [0], [1], [1], [0, 1, 1, 1], [], []>, transpose_lhs_hint = false} : vector<32x512xbf16>, vector<32x1024xbf16>, vector<512x1024xf32> -> vector<512x1024xf32>
    %argmax3A_515 = tpu.reduce_index %dot_general3A_514 {axis = 0 : i32, kind = #tpu.reduction_kind<arg_max>} : vector<512x1024xf32> -> vector<1024xi32>
    %swap3A_516 = arith.constant 21 : index
    %swap3A_517 = arith.constant 0 : index
    %swap3A_518 = vector.load %arg3[%swap3A_516, %swap3A_517] : memref<32x1024xi32, #tpu.memory_space<vmem>>, vector<1x1024xi32>
    %swap3A_519 = vector.shape_cast %swap3A_518 : vector<1x1024xi32> to vector<1024xi32>
    %swap3A_520 = vector.shape_cast %argmax3A_515 : vector<1024xi32> to vector<1x1024xi32>
    tpu.vector_store %arg3[%swap3A_516, %swap3A_517], %swap3A_520 {strides = array<i32>} : memref<32x1024xi32, #tpu.memory_space<vmem>>, vector<1x1024xi32>,
    %get3A_521 = arith.constant 22 : index
    %get3A_522 = arith.constant 0 : index
    %get3A_523 = arith.constant 0 : index
    %get3A_524 = vector.load %arg1[%get3A_521, %get3A_522, %get3A_523] : memref<32x32x1024xf32, #tpu.memory_space<vmem>>, vector<1x32x1024xf32>
    %get3A_525 = vector.shape_cast %get3A_524 : vector<1x32x1024xf32> to vector<32x1024xf32>
    %mul3A_526 = arith.mulf %get3A_525, %get3A_525 : vector<32x1024xf32>
    %reduce_sum3A_527 = arith.constant dense<0.000000e+00> : vector<1024xf32>
    %reduce_sum3A_528 = vector.multi_reduction <add>, %mul3A_526, %reduce_sum3A_527 [0] : vector<32x1024xf32> to vector<1024xf32>
    %broadcast_in_dim3A_529 = vector.shape_cast %reduce_sum3A_528 : vector<1024xf32> to vector<1x1024xf32>
    %sqrt3A_530 = math.sqrt %broadcast_in_dim3A_529 : vector<1x1024xf32>
    %max3A_531 = arith.constant 9.99999996E-13 : f32
    %max3A_532 = vector.broadcast %max3A_531 : f32 to vector<1x1024xf32>
    %max3A_533 = arith.maximumf %sqrt3A_530, %max3A_532 : vector<1x1024xf32>
    %div3A_534 = vector.broadcast %max3A_533 : vector<1x1024xf32> to vector<32x1024xf32>
    %div3A_535 = arith.divf %get3A_525, %div3A_534 : vector<32x1024xf32>
    %convert_element_type3A_536 = arith.truncf %div3A_535 : vector<32x1024xf32> to vector<32x1024xbf16>
    %dot_general3A_537 = arith.constant dense<0.000000e+00> : vector<512x1024xf32>
    %dot_general3A_538 = tpu.matmul %convert_element_type3A, %convert_element_type3A_536, %dot_general3A_537 {dimension_numbers = #tpu.dot_dimension_numbers<[0], [0], [1], [1], [0, 1, 1, 1], [], []>, transpose_lhs_hint = false} : vector<32x512xbf16>, vector<32x1024xbf16>, vector<512x1024xf32> -> vector<512x1024xf32>
    %argmax3A_539 = tpu.reduce_index %dot_general3A_538 {axis = 0 : i32, kind = #tpu.reduction_kind<arg_max>} : vector<512x1024xf32> -> vector<1024xi32>
    %swap3A_540 = arith.constant 22 : index
    %swap3A_541 = arith.constant 0 : index
    %swap3A_542 = vector.load %arg3[%swap3A_540, %swap3A_541] : memref<32x1024xi32, #tpu.memory_space<vmem>>, vector<1x1024xi32>
    %swap3A_543 = vector.shape_cast %swap3A_542 : vector<1x1024xi32> to vector<1024xi32>
    %swap3A_544 = vector.shape_cast %argmax3A_539 : vector<1024xi32> to vector<1x1024xi32>
    tpu.vector_store %arg3[%swap3A_540, %swap3A_541], %swap3A_544 {strides = array<i32>} : memref<32x1024xi32, #tpu.memory_space<vmem>>, vector<1x1024xi32>,
    %get3A_545 = arith.constant 23 : index
    %get3A_546 = arith.constant 0 : index
    %get3A_547 = arith.constant 0 : index
    %get3A_548 = vector.load %arg1[%get3A_545, %get3A_546, %get3A_547] : memref<32x32x1024xf32, #tpu.memory_space<vmem>>, vector<1x32x1024xf32>
    %get3A_549 = vector.shape_cast %get3A_548 : vector<1x32x1024xf32> to vector<32x1024xf32>
    %mul3A_550 = arith.mulf %get3A_549, %get3A_549 : vector<32x1024xf32>
    %reduce_sum3A_551 = arith.constant dense<0.000000e+00> : vector<1024xf32>
    %reduce_sum3A_552 = vector.multi_reduction <add>, %mul3A_550, %reduce_sum3A_551 [0] : vector<32x1024xf32> to vector<1024xf32>
    %broadcast_in_dim3A_553 = vector.shape_cast %reduce_sum3A_552 : vector<1024xf32> to vector<1x1024xf32>
    %sqrt3A_554 = math.sqrt %broadcast_in_dim3A_553 : vector<1x1024xf32>
    %max3A_555 = arith.constant 9.99999996E-13 : f32
    %max3A_556 = vector.broadcast %max3A_555 : f32 to vector<1x1024xf32>
    %max3A_557 = arith.maximumf %sqrt3A_554, %max3A_556 : vector<1x1024xf32>
    %div3A_558 = vector.broadcast %max3A_557 : vector<1x1024xf32> to vector<32x1024xf32>
    %div3A_559 = arith.divf %get3A_549, %div3A_558 : vector<32x1024xf32>
    %convert_element_type3A_560 = arith.truncf %div3A_559 : vector<32x1024xf32> to vector<32x1024xbf16>
    %dot_general3A_561 = arith.constant dense<0.000000e+00> : vector<512x1024xf32>
    %dot_general3A_562 = tpu.matmul %convert_element_type3A, %convert_element_type3A_560, %dot_general3A_561 {dimension_numbers = #tpu.dot_dimension_numbers<[0], [0], [1], [1], [0, 1, 1, 1], [], []>, transpose_lhs_hint = false} : vector<32x512xbf16>, vector<32x1024xbf16>, vector<512x1024xf32> -> vector<512x1024xf32>
    %argmax3A_563 = tpu.reduce_index %dot_general3A_562 {axis = 0 : i32, kind = #tpu.reduction_kind<arg_max>} : vector<512x1024xf32> -> vector<1024xi32>
    %swap3A_564 = arith.constant 23 : index
    %swap3A_565 = arith.constant 0 : index
    %swap3A_566 = vector.load %arg3[%swap3A_564, %swap3A_565] : memref<32x1024xi32, #tpu.memory_space<vmem>>, vector<1x1024xi32>
    %swap3A_567 = vector.shape_cast %swap3A_566 : vector<1x1024xi32> to vector<1024xi32>
    %swap3A_568 = vector.shape_cast %argmax3A_563 : vector<1024xi32> to vector<1x1024xi32>
    tpu.vector_store %arg3[%swap3A_564, %swap3A_565], %swap3A_568 {strides = array<i32>} : memref<32x1024xi32, #tpu.memory_space<vmem>>, vector<1x1024xi32>,
    %get3A_569 = arith.constant 24 : index
    %get3A_570 = arith.constant 0 : index
    %get3A_571 = arith.constant 0 : index
    %get3A_572 = vector.load %arg1[%get3A_569, %get3A_570, %get3A_571] : memref<32x32x1024xf32, #tpu.memory_space<vmem>>, vector<1x32x1024xf32>
    %get3A_573 = vector.shape_cast %get3A_572 : vector<1x32x1024xf32> to vector<32x1024xf32>
    %mul3A_574 = arith.mulf %get3A_573, %get3A_573 : vector<32x1024xf32>
    %reduce_sum3A_575 = arith.constant dense<0.000000e+00> : vector<1024xf32>
    %reduce_sum3A_576 = vector.multi_reduction <add>, %mul3A_574, %reduce_sum3A_575 [0] : vector<32x1024xf32> to vector<1024xf32>
    %broadcast_in_dim3A_577 = vector.shape_cast %reduce_sum3A_576 : vector<1024xf32> to vector<1x1024xf32>
    %sqrt3A_578 = math.sqrt %broadcast_in_dim3A_577 : vector<1x1024xf32>
    %max3A_579 = arith.constant 9.99999996E-13 : f32
    %max3A_580 = vector.broadcast %max3A_579 : f32 to vector<1x1024xf32>
    %max3A_581 = arith.maximumf %sqrt3A_578, %max3A_580 : vector<1x1024xf32>
    %div3A_582 = vector.broadcast %max3A_581 : vector<1x1024xf32> to vector<32x1024xf32>
    %div3A_583 = arith.divf %get3A_573, %div3A_582 : vector<32x1024xf32>
    %convert_element_type3A_584 = arith.truncf %div3A_583 : vector<32x1024xf32> to vector<32x1024xbf16>
    %dot_general3A_585 = arith.constant dense<0.000000e+00> : vector<512x1024xf32>
    %dot_general3A_586 = tpu.matmul %convert_element_type3A, %convert_element_type3A_584, %dot_general3A_585 {dimension_numbers = #tpu.dot_dimension_numbers<[0], [0], [1], [1], [0, 1, 1, 1], [], []>, transpose_lhs_hint = false} : vector<32x512xbf16>, vector<32x1024xbf16>, vector<512x1024xf32> -> vector<512x1024xf32>
    %argmax3A_587 = tpu.reduce_index %dot_general3A_586 {axis = 0 : i32, kind = #tpu.reduction_kind<arg_max>} : vector<512x1024xf32> -> vector<1024xi32>
    %swap3A_588 = arith.constant 24 : index
    %swap3A_589 = arith.constant 0 : index
    %swap3A_590 = vector.load %arg3[%swap3A_588, %swap3A_589] : memref<32x1024xi32, #tpu.memory_space<vmem>>, vector<1x1024xi32>
    %swap3A_591 = vector.shape_cast %swap3A_590 : vector<1x1024xi32> to vector<1024xi32>
    %swap3A_592 = vector.shape_cast %argmax3A_587 : vector<1024xi32> to vector<1x1024xi32>
    tpu.vector_store %arg3[%swap3A_588, %swap3A_589], %swap3A_592 {strides = array<i32>} : memref<32x1024xi32, #tpu.memory_space<vmem>>, vector<1x1024xi32>,
    %get3A_593 = arith.constant 25 : index
    %get3A_594 = arith.constant 0 : index
    %get3A_595 = arith.constant 0 : index
    %get3A_596 = vector.load %arg1[%get3A_593, %get3A_594, %get3A_595] : memref<32x32x1024xf32, #tpu.memory_space<vmem>>, vector<1x32x1024xf32>
    %get3A_597 = vector.shape_cast %get3A_596 : vector<1x32x1024xf32> to vector<32x1024xf32>
    %mul3A_598 = arith.mulf %get3A_597, %get3A_597 : vector<32x1024xf32>
    %reduce_sum3A_599 = arith.constant dense<0.000000e+00> : vector<1024xf32>
    %reduce_sum3A_600 = vector.multi_reduction <add>, %mul3A_598, %reduce_sum3A_599 [0] : vector<32x1024xf32> to vector<1024xf32>
    %broadcast_in_dim3A_601 = vector.shape_cast %reduce_sum3A_600 : vector<1024xf32> to vector<1x1024xf32>
    %sqrt3A_602 = math.sqrt %broadcast_in_dim3A_601 : vector<1x1024xf32>
    %max3A_603 = arith.constant 9.99999996E-13 : f32
    %max3A_604 = vector.broadcast %max3A_603 : f32 to vector<1x1024xf32>
    %max3A_605 = arith.maximumf %sqrt3A_602, %max3A_604 : vector<1x1024xf32>
    %div3A_606 = vector.broadcast %max3A_605 : vector<1x1024xf32> to vector<32x1024xf32>
    %div3A_607 = arith.divf %get3A_597, %div3A_606 : vector<32x1024xf32>
    %convert_element_type3A_608 = arith.truncf %div3A_607 : vector<32x1024xf32> to vector<32x1024xbf16>
    %dot_general3A_609 = arith.constant dense<0.000000e+00> : vector<512x1024xf32>
    %dot_general3A_610 = tpu.matmul %convert_element_type3A, %convert_element_type3A_608, %dot_general3A_609 {dimension_numbers = #tpu.dot_dimension_numbers<[0], [0], [1], [1], [0, 1, 1, 1], [], []>, transpose_lhs_hint = false} : vector<32x512xbf16>, vector<32x1024xbf16>, vector<512x1024xf32> -> vector<512x1024xf32>
    %argmax3A_611 = tpu.reduce_index %dot_general3A_610 {axis = 0 : i32, kind = #tpu.reduction_kind<arg_max>} : vector<512x1024xf32> -> vector<1024xi32>
    %swap3A_612 = arith.constant 25 : index
    %swap3A_613 = arith.constant 0 : index
    %swap3A_614 = vector.load %arg3[%swap3A_612, %swap3A_613] : memref<32x1024xi32, #tpu.memory_space<vmem>>, vector<1x1024xi32>
    %swap3A_615 = vector.shape_cast %swap3A_614 : vector<1x1024xi32> to vector<1024xi32>
    %swap3A_616 = vector.shape_cast %argmax3A_611 : vector<1024xi32> to vector<1x1024xi32>
    tpu.vector_store %arg3[%swap3A_612, %swap3A_613], %swap3A_616 {strides = array<i32>} : memref<32x1024xi32, #tpu.memory_space<vmem>>, vector<1x1024xi32>,
    %get3A_617 = arith.constant 26 : index
    %get3A_618 = arith.constant 0 : index
    %get3A_619 = arith.constant 0 : index
    %get3A_620 = vector.load %arg1[%get3A_617, %get3A_618, %get3A_619] : memref<32x32x1024xf32, #tpu.memory_space<vmem>>, vector<1x32x1024xf32>
    %get3A_621 = vector.shape_cast %get3A_620 : vector<1x32x1024xf32> to vector<32x1024xf32>
    %mul3A_622 = arith.mulf %get3A_621, %get3A_621 : vector<32x1024xf32>
    %reduce_sum3A_623 = arith.constant dense<0.000000e+00> : vector<1024xf32>
    %reduce_sum3A_624 = vector.multi_reduction <add>, %mul3A_622, %reduce_sum3A_623 [0] : vector<32x1024xf32> to vector<1024xf32>
    %broadcast_in_dim3A_625 = vector.shape_cast %reduce_sum3A_624 : vector<1024xf32> to vector<1x1024xf32>
    %sqrt3A_626 = math.sqrt %broadcast_in_dim3A_625 : vector<1x1024xf32>
    %max3A_627 = arith.constant 9.99999996E-13 : f32
    %max3A_628 = vector.broadcast %max3A_627 : f32 to vector<1x1024xf32>
    %max3A_629 = arith.maximumf %sqrt3A_626, %max3A_628 : vector<1x1024xf32>
    %div3A_630 = vector.broadcast %max3A_629 : vector<1x1024xf32> to vector<32x1024xf32>
    %div3A_631 = arith.divf %get3A_621, %div3A_630 : vector<32x1024xf32>
    %convert_element_type3A_632 = arith.truncf %div3A_631 : vector<32x1024xf32> to vector<32x1024xbf16>
    %dot_general3A_633 = arith.constant dense<0.000000e+00> : vector<512x1024xf32>
    %dot_general3A_634 = tpu.matmul %convert_element_type3A, %convert_element_type3A_632, %dot_general3A_633 {dimension_numbers = #tpu.dot_dimension_numbers<[0], [0], [1], [1], [0, 1, 1, 1], [], []>, transpose_lhs_hint = false} : vector<32x512xbf16>, vector<32x1024xbf16>, vector<512x1024xf32> -> vector<512x1024xf32>
    %argmax3A_635 = tpu.reduce_index %dot_general3A_634 {axis = 0 : i32, kind = #tpu.reduction_kind<arg_max>} : vector<512x1024xf32> -> vector<1024xi32>
    %swap3A_636 = arith.constant 26 : index
    %swap3A_637 = arith.constant 0 : index
    %swap3A_638 = vector.load %arg3[%swap3A_636, %swap3A_637] : memref<32x1024xi32, #tpu.memory_space<vmem>>, vector<1x1024xi32>
    %swap3A_639 = vector.shape_cast %swap3A_638 : vector<1x1024xi32> to vector<1024xi32>
    %swap3A_640 = vector.shape_cast %argmax3A_635 : vector<1024xi32> to vector<1x1024xi32>
    tpu.vector_store %arg3[%swap3A_636, %swap3A_637], %swap3A_640 {strides = array<i32>} : memref<32x1024xi32, #tpu.memory_space<vmem>>, vector<1x1024xi32>,
    %get3A_641 = arith.constant 27 : index
    %get3A_642 = arith.constant 0 : index
    %get3A_643 = arith.constant 0 : index
    %get3A_644 = vector.load %arg1[%get3A_641, %get3A_642, %get3A_643] : memref<32x32x1024xf32, #tpu.memory_space<vmem>>, vector<1x32x1024xf32>
    %get3A_645 = vector.shape_cast %get3A_644 : vector<1x32x1024xf32> to vector<32x1024xf32>
    %mul3A_646 = arith.mulf %get3A_645, %get3A_645 : vector<32x1024xf32>
    %reduce_sum3A_647 = arith.constant dense<0.000000e+00> : vector<1024xf32>
    %reduce_sum3A_648 = vector.multi_reduction <add>, %mul3A_646, %reduce_sum3A_647 [0] : vector<32x1024xf32> to vector<1024xf32>
    %broadcast_in_dim3A_649 = vector.shape_cast %reduce_sum3A_648 : vector<1024xf32> to vector<1x1024xf32>
    %sqrt3A_650 = math.sqrt %broadcast_in_dim3A_649 : vector<1x1024xf32>
    %max3A_651 = arith.constant 9.99999996E-13 : f32
    %max3A_652 = vector.broadcast %max3A_651 : f32 to vector<1x1024xf32>
    %max3A_653 = arith.maximumf %sqrt3A_650, %max3A_652 : vector<1x1024xf32>
    %div3A_654 = vector.broadcast %max3A_653 : vector<1x1024xf32> to vector<32x1024xf32>
    %div3A_655 = arith.divf %get3A_645, %div3A_654 : vector<32x1024xf32>
    %convert_element_type3A_656 = arith.truncf %div3A_655 : vector<32x1024xf32> to vector<32x1024xbf16>
    %dot_general3A_657 = arith.constant dense<0.000000e+00> : vector<512x1024xf32>
    %dot_general3A_658 = tpu.matmul %convert_element_type3A, %convert_element_type3A_656, %dot_general3A_657 {dimension_numbers = #tpu.dot_dimension_numbers<[0], [0], [1], [1], [0, 1, 1, 1], [], []>, transpose_lhs_hint = false} : vector<32x512xbf16>, vector<32x1024xbf16>, vector<512x1024xf32> -> vector<512x1024xf32>
    %argmax3A_659 = tpu.reduce_index %dot_general3A_658 {axis = 0 : i32, kind = #tpu.reduction_kind<arg_max>} : vector<512x1024xf32> -> vector<1024xi32>
    %swap3A_660 = arith.constant 27 : index
    %swap3A_661 = arith.constant 0 : index
    %swap3A_662 = vector.load %arg3[%swap3A_660, %swap3A_661] : memref<32x1024xi32, #tpu.memory_space<vmem>>, vector<1x1024xi32>
    %swap3A_663 = vector.shape_cast %swap3A_662 : vector<1x1024xi32> to vector<1024xi32>
    %swap3A_664 = vector.shape_cast %argmax3A_659 : vector<1024xi32> to vector<1x1024xi32>
    tpu.vector_store %arg3[%swap3A_660, %swap3A_661], %swap3A_664 {strides = array<i32>} : memref<32x1024xi32, #tpu.memory_space<vmem>>, vector<1x1024xi32>,
    %get3A_665 = arith.constant 28 : index
    %get3A_666 = arith.constant 0 : index
    %get3A_667 = arith.constant 0 : index
    %get3A_668 = vector.load %arg1[%get3A_665, %get3A_666, %get3A_667] : memref<32x32x1024xf32, #tpu.memory_space<vmem>>, vector<1x32x1024xf32>
    %get3A_669 = vector.shape_cast %get3A_668 : vector<1x32x1024xf32> to vector<32x1024xf32>
    %mul3A_670 = arith.mulf %get3A_669, %get3A_669 : vector<32x1024xf32>
    %reduce_sum3A_671 = arith.constant dense<0.000000e+00> : vector<1024xf32>
    %reduce_sum3A_672 = vector.multi_reduction <add>, %mul3A_670, %reduce_sum3A_671 [0] : vector<32x1024xf32> to vector<1024xf32>
    %broadcast_in_dim3A_673 = vector.shape_cast %reduce_sum3A_672 : vector<1024xf32> to vector<1x1024xf32>
    %sqrt3A_674 = math.sqrt %broadcast_in_dim3A_673 : vector<1x1024xf32>
    %max3A_675 = arith.constant 9.99999996E-13 : f32
    %max3A_676 = vector.broadcast %max3A_675 : f32 to vector<1x1024xf32>
    %max3A_677 = arith.maximumf %sqrt3A_674, %max3A_676 : vector<1x1024xf32>
    %div3A_678 = vector.broadcast %max3A_677 : vector<1x1024xf32> to vector<32x1024xf32>
    %div3A_679 = arith.divf %get3A_669, %div3A_678 : vector<32x1024xf32>
    %convert_element_type3A_680 = arith.truncf %div3A_679 : vector<32x1024xf32> to vector<32x1024xbf16>
    %dot_general3A_681 = arith.constant dense<0.000000e+00> : vector<512x1024xf32>
    %dot_general3A_682 = tpu.matmul %convert_element_type3A, %convert_element_type3A_680, %dot_general3A_681 {dimension_numbers = #tpu.dot_dimension_numbers<[0], [0], [1], [1], [0, 1, 1, 1], [], []>, transpose_lhs_hint = false} : vector<32x512xbf16>, vector<32x1024xbf16>, vector<512x1024xf32> -> vector<512x1024xf32>
    %argmax3A_683 = tpu.reduce_index %dot_general3A_682 {axis = 0 : i32, kind = #tpu.reduction_kind<arg_max>} : vector<512x1024xf32> -> vector<1024xi32>
    %swap3A_684 = arith.constant 28 : index
    %swap3A_685 = arith.constant 0 : index
    %swap3A_686 = vector.load %arg3[%swap3A_684, %swap3A_685] : memref<32x1024xi32, #tpu.memory_space<vmem>>, vector<1x1024xi32>
    %swap3A_687 = vector.shape_cast %swap3A_686 : vector<1x1024xi32> to vector<1024xi32>
    %swap3A_688 = vector.shape_cast %argmax3A_683 : vector<1024xi32> to vector<1x1024xi32>
    tpu.vector_store %arg3[%swap3A_684, %swap3A_685], %swap3A_688 {strides = array<i32>} : memref<32x1024xi32, #tpu.memory_space<vmem>>, vector<1x1024xi32>,
    %get3A_689 = arith.constant 29 : index
    %get3A_690 = arith.constant 0 : index
    %get3A_691 = arith.constant 0 : index
    %get3A_692 = vector.load %arg1[%get3A_689, %get3A_690, %get3A_691] : memref<32x32x1024xf32, #tpu.memory_space<vmem>>, vector<1x32x1024xf32>
    %get3A_693 = vector.shape_cast %get3A_692 : vector<1x32x1024xf32> to vector<32x1024xf32>
    %mul3A_694 = arith.mulf %get3A_693, %get3A_693 : vector<32x1024xf32>
    %reduce_sum3A_695 = arith.constant dense<0.000000e+00> : vector<1024xf32>
    %reduce_sum3A_696 = vector.multi_reduction <add>, %mul3A_694, %reduce_sum3A_695 [0] : vector<32x1024xf32> to vector<1024xf32>
    %broadcast_in_dim3A_697 = vector.shape_cast %reduce_sum3A_696 : vector<1024xf32> to vector<1x1024xf32>
    %sqrt3A_698 = math.sqrt %broadcast_in_dim3A_697 : vector<1x1024xf32>
    %max3A_699 = arith.constant 9.99999996E-13 : f32
    %max3A_700 = vector.broadcast %max3A_699 : f32 to vector<1x1024xf32>
    %max3A_701 = arith.maximumf %sqrt3A_698, %max3A_700 : vector<1x1024xf32>
    %div3A_702 = vector.broadcast %max3A_701 : vector<1x1024xf32> to vector<32x1024xf32>
    %div3A_703 = arith.divf %get3A_693, %div3A_702 : vector<32x1024xf32>
    %convert_element_type3A_704 = arith.truncf %div3A_703 : vector<32x1024xf32> to vector<32x1024xbf16>
    %dot_general3A_705 = arith.constant dense<0.000000e+00> : vector<512x1024xf32>
    %dot_general3A_706 = tpu.matmul %convert_element_type3A, %convert_element_type3A_704, %dot_general3A_705 {dimension_numbers = #tpu.dot_dimension_numbers<[0], [0], [1], [1], [0, 1, 1, 1], [], []>, transpose_lhs_hint = false} : vector<32x512xbf16>, vector<32x1024xbf16>, vector<512x1024xf32> -> vector<512x1024xf32>
    %argmax3A_707 = tpu.reduce_index %dot_general3A_706 {axis = 0 : i32, kind = #tpu.reduction_kind<arg_max>} : vector<512x1024xf32> -> vector<1024xi32>
    %swap3A_708 = arith.constant 29 : index
    %swap3A_709 = arith.constant 0 : index
    %swap3A_710 = vector.load %arg3[%swap3A_708, %swap3A_709] : memref<32x1024xi32, #tpu.memory_space<vmem>>, vector<1x1024xi32>
    %swap3A_711 = vector.shape_cast %swap3A_710 : vector<1x1024xi32> to vector<1024xi32>
    %swap3A_712 = vector.shape_cast %argmax3A_707 : vector<1024xi32> to vector<1x1024xi32>
    tpu.vector_store %arg3[%swap3A_708, %swap3A_709], %swap3A_712 {strides = array<i32>} : memref<32x1024xi32, #tpu.memory_space<vmem>>, vector<1x1024xi32>,
    %get3A_713 = arith.constant 30 : index
    %get3A_714 = arith.constant 0 : index
    %get3A_715 = arith.constant 0 : index
    %get3A_716 = vector.load %arg1[%get3A_713, %get3A_714, %get3A_715] : memref<32x32x1024xf32, #tpu.memory_space<vmem>>, vector<1x32x1024xf32>
    %get3A_717 = vector.shape_cast %get3A_716 : vector<1x32x1024xf32> to vector<32x1024xf32>
    %mul3A_718 = arith.mulf %get3A_717, %get3A_717 : vector<32x1024xf32>
    %reduce_sum3A_719 = arith.constant dense<0.000000e+00> : vector<1024xf32>
    %reduce_sum3A_720 = vector.multi_reduction <add>, %mul3A_718, %reduce_sum3A_719 [0] : vector<32x1024xf32> to vector<1024xf32>
    %broadcast_in_dim3A_721 = vector.shape_cast %reduce_sum3A_720 : vector<1024xf32> to vector<1x1024xf32>
    %sqrt3A_722 = math.sqrt %broadcast_in_dim3A_721 : vector<1x1024xf32>
    %max3A_723 = arith.constant 9.99999996E-13 : f32
    %max3A_724 = vector.broadcast %max3A_723 : f32 to vector<1x1024xf32>
    %max3A_725 = arith.maximumf %sqrt3A_722, %max3A_724 : vector<1x1024xf32>
    %div3A_726 = vector.broadcast %max3A_725 : vector<1x1024xf32> to vector<32x1024xf32>
    %div3A_727 = arith.divf %get3A_717, %div3A_726 : vector<32x1024xf32>
    %convert_element_type3A_728 = arith.truncf %div3A_727 : vector<32x1024xf32> to vector<32x1024xbf16>
    %dot_general3A_729 = arith.constant dense<0.000000e+00> : vector<512x1024xf32>
    %dot_general3A_730 = tpu.matmul %convert_element_type3A, %convert_element_type3A_728, %dot_general3A_729 {dimension_numbers = #tpu.dot_dimension_numbers<[0], [0], [1], [1], [0, 1, 1, 1], [], []>, transpose_lhs_hint = false} : vector<32x512xbf16>, vector<32x1024xbf16>, vector<512x1024xf32> -> vector<512x1024xf32>
    %argmax3A_731 = tpu.reduce_index %dot_general3A_730 {axis = 0 : i32, kind = #tpu.reduction_kind<arg_max>} : vector<512x1024xf32> -> vector<1024xi32>
    %swap3A_732 = arith.constant 30 : index
    %swap3A_733 = arith.constant 0 : index
    %swap3A_734 = vector.load %arg3[%swap3A_732, %swap3A_733] : memref<32x1024xi32, #tpu.memory_space<vmem>>, vector<1x1024xi32>
    %swap3A_735 = vector.shape_cast %swap3A_734 : vector<1x1024xi32> to vector<1024xi32>
    %swap3A_736 = vector.shape_cast %argmax3A_731 : vector<1024xi32> to vector<1x1024xi32>
    tpu.vector_store %arg3[%swap3A_732, %swap3A_733], %swap3A_736 {strides = array<i32>} : memref<32x1024xi32, #tpu.memory_space<vmem>>, vector<1x1024xi32>,
    %get3A_737 = arith.constant 31 : index
    %get3A_738 = arith.constant 0 : index
    %get3A_739 = arith.constant 0 : index
    %get3A_740 = vector.load %arg1[%get3A_737, %get3A_738, %get3A_739] : memref<32x32x1024xf32, #tpu.memory_space<vmem>>, vector<1x32x1024xf32>
    %get3A_741 = vector.shape_cast %get3A_740 : vector<1x32x1024xf32> to vector<32x1024xf32>
    %mul3A_742 = arith.mulf %get3A_741, %get3A_741 : vector<32x1024xf32>
    %reduce_sum3A_743 = arith.constant dense<0.000000e+00> : vector<1024xf32>
    %reduce_sum3A_744 = vector.multi_reduction <add>, %mul3A_742, %reduce_sum3A_743 [0] : vector<32x1024xf32> to vector<1024xf32>
    %broadcast_in_dim3A_745 = vector.shape_cast %reduce_sum3A_744 : vector<1024xf32> to vector<1x1024xf32>
    %sqrt3A_746 = math.sqrt %broadcast_in_dim3A_745 : vector<1x1024xf32>
    %max3A_747 = arith.constant 9.99999996E-13 : f32
    %max3A_748 = vector.broadcast %max3A_747 : f32 to vector<1x1024xf32>
    %max3A_749 = arith.maximumf %sqrt3A_746, %max3A_748 : vector<1x1024xf32>
    %div3A_750 = vector.broadcast %max3A_749 : vector<1x1024xf32> to vector<32x1024xf32>
    %div3A_751 = arith.divf %get3A_741, %div3A_750 : vector<32x1024xf32>
    %convert_element_type3A_752 = arith.truncf %div3A_751 : vector<32x1024xf32> to vector<32x1024xbf16>
    %dot_general3A_753 = arith.constant dense<0.000000e+00> : vector<512x1024xf32>
    %dot_general3A_754 = tpu.matmul %convert_element_type3A, %convert_element_type3A_752, %dot_general3A_753 {dimension_numbers = #tpu.dot_dimension_numbers<[0], [0], [1], [1], [0, 1, 1, 1], [], []>, transpose_lhs_hint = false} : vector<32x512xbf16>, vector<32x1024xbf16>, vector<512x1024xf32> -> vector<512x1024xf32>
    %argmax3A_755 = tpu.reduce_index %dot_general3A_754 {axis = 0 : i32, kind = #tpu.reduction_kind<arg_max>} : vector<512x1024xf32> -> vector<1024xi32>
    %swap3A_756 = arith.constant 31 : index
    %swap3A_757 = arith.constant 0 : index
    %swap3A_758 = vector.load %arg3[%swap3A_756, %swap3A_757] : memref<32x1024xi32, #tpu.memory_space<vmem>>, vector<1x1024xi32>
    %swap3A_759 = vector.shape_cast %swap3A_758 : vector<1x1024xi32> to vector<1024xi32>
    %swap3A_760 = vector.shape_cast %argmax3A_755 : vector<1024xi32> to vector<1x1024xi32>
    tpu.vector_store %arg3[%swap3A_756, %swap3A_757], %swap3A_760 {strides = array<i32>} : memref<32x1024xi32, #tpu.memory_space<vmem>>, vector<1x1024xi32>,
    return
  }
  func.func @transform_0(%arg0: i32) -> (i32, i32, i32) {
    %c0_i32 = arith.constant 0 : i32
    %c0_i32_0 = arith.constant 0 : i32
    %c0_i32_1 = arith.constant 0 : i32
    return %arg0, %c0_i32, %c0_i32_0 : i32, i32, i32
  }
  func.func @transform_1(%arg0: i32) -> (i32, i32) {
    %c0_i32 = arith.constant 0 : i32
    %c0_i32_0 = arith.constant 0 : i32
    %c0_i32_1 = arith.constant 0 : i32
    return %c0_i32, %c0_i32_0 : i32, i32
  }
  func.func @transform_2(%arg0: i32) -> (i32, i32) {
    %c0_i32 = arith.constant 0 : i32
    %c0_i32_0 = arith.constant 0 : i32
    return %arg0, %c0_i32 : i32, i32
  }
}

</mosaic_0001>

<sc_bundles>
// kernel: kernel.4.cloned.1.call-start
scs
__scs_entry_jumppad:
0x0: {  	(pc) =	sbr.rel $0x88, $3  }
0x1: {  	(tag) =	ssettag $0x0;
	lr =	simm.s32 $0x1  }
0x2: {  	[smem:$0x3F9E] =	sst lr;
	_ =	strace $0xD0000000  }
0x3: {  	_ = 	snop  }
0x4: {  	_ = 	snop  }
0x5: {  	_ = 	snop  }
0x6: {  	_ = 	snop  }
0x7: {  	_ = 	snop  }
__scs_overlays_trampoline_lowered:
0x8: {  	[smem:$0x3FAD] =	sst s0  }
0x9: {  	[smem:$0x3FAE] =	sst s1  }
0xa: {  	[smem:$0x3FAF] =	sst s2  }
0xb: {  	[smem:$0x3FB0] =	sst s3  }
0xc: {  	[smem:$0x3FB1] =	sst s4  }
0xd: {  	[smem:$0x3FB2] =	sst s5  }
0xe: {  	[smem:$0x3FB3] =	sst s6  }
0xf: {  	[smem:$0x3FB4] =	sst s7  }
0x10: {  	[smem:$0x3FB5] =	sst s8  }
0x11: {  	[smem:$0x3FB6] =	sst s9;
	s0 =	simm.s32 @!p0 $0x0  }
0x12: {  	s1 =	sld [smem:$0x3F9C];
	s0 =	simm.s32 @p0 $0x1  }
0x13: {  	[smem:$0x3FB7] =	sst s0;
	s0 =	simm.s32 @!p1 $0x0  }
0x14: {  	s2 =	sld [smem:$0x3F9B];
	s0 =	simm.s32 @p1 $0x1  }
0x15: {  	[smem:$0x3FB8] =	sst s0;
	s0 =	simm.s32 @!p2 $0x0  }
0x16: {  	s3 =	sld [smem:$0x3FDB];
	s0 =	simm.s32 @p2 $0x1  }
0x17: {  	s4 =	simm.s32 $0x1BF5;
	[smem:$0x3FBA] =	sst s0  }
0x18: {  	s0 =	sld [smem:$0x3F9D];
	_ =	swait.ge [sflag:s4], $0x0  }
0x19: {  	s7 =	sld [smem:$0x3F9E]  }
0x1a: {  	s8 =	sadd.s32 $0xFFFFE003, lr  }
0x1b: {  	s9 =	sadd.s32 $0xFFFFFEF7, lr;
	s5 =	simm.s32 $0xFFFFFFFF;
	p2 =	slt.u32 s8, $0xFFFFF086  }
0x1c: {  	p1 =	slt.u32 s9, $0xF7A;
	s5 =	simm.s32 @!p2 $0x0  }
0x1d: {  	s5 =	simm.s32 @p1 $0x1;
	p0 =	seq.s32 s7, s2  }
0x1e: {  	s7 =	smul.u32 @!p0 $0xF7A, s2;
	p2 =	seq.s32 @!p0 s5, $0x0  }
0x1f: {  	s9 =	smul.u32 $0xF7A, s1;
	s8 =	simm.s32 @!p0 $0x1BF5;
	p2 =	por !p2, p0  }
0x20: {  	[sflag:s8] =	ssyncset.s32 @!p0 $0xFFFFF086;
	s6 =	sadd.s32 @!p0 s3, s7;
	s7 =	simm.s32 @!p0 $0x108  }
0x21: {  	s3 =	sadd.s32 s3, s9;
	s6 =	sadd.s32 @!p0 $0x88, s6;
	s7 =	simm.s32 @p2 $0x1082  }
0x22: {  	[simem:s7], [sflag:s8] =	dma.local @!p0 [hbm:s6], $0xF7A  }
0x23: {  	s9 =	sor.u32 $0xD0000000, s2;
	s6 =	simm.s32 $0x108;
	_ =	swait.ge @!p0 [sflag:s8], $0x0  }
0x24: {  	s3 =	sadd.s32 $0x88, s3;
	s6 =	simm.s32 @!p1 $0x1082;
	[sflag:s4] =	ssyncset.s32 $0xFFFFF086  }
0x25: {  	[simem:s6], [sflag:s4] =	dma.local [hbm:s3], $0xF7A  }
0x26: {  	[smem:$0x3F9E] =	sst s1;
	(tag) =	ssettag s2;
	_ =	strace s9  }
0x27: {  	s1 =	sld [smem:$0x3FAE]  }
0x28: {  	s2 =	sld [smem:$0x3FAF]  }
0x29: {  	s4 =	sld [smem:$0x3FB1]  }
0x2a: {  	p0 =	seq.s32 s5, $0x0;
	s5 =	sld [smem:$0x3FB2]  }
0x2b: {  	s6 =	sld [smem:$0x3FB3]  }
0x2c: {  	s7 =	sld [smem:$0x3FB4]  }
0x2d: {  	s3 =	simm.s32 $0x108;
	s8 =	sld [smem:$0x3FB5]  }
0x2e: {  	s3 =	simm.s32 @!p0 $0x1082;
	s9 =	sld [smem:$0x3FB6]  }
0x2f: {  	lr =	sadd.s32 s0, s3;
	s0 =	sld [smem:$0x3FAD]  }
0x30: {  	s3 =	sld [smem:$0x3FB0]  }
0x31: {  	[smem:$0x3FB9] =	sst s10  }
0x32: {  	s10 =	sld [smem:$0x3FB7];
	_ =	sdelay $0x3  }
0x33: {  	p0 =	seq.s32 s10, $0x1;
	s10 =	sld [smem:$0x3FB9];
	_ =	sdelay $0x3  }
0x34: {  	[smem:$0x3FB9] =	sst s10  }
0x35: {  	s10 =	sld [smem:$0x3FB8];
	_ =	sdelay $0x3  }
0x36: {  	p1 =	seq.s32 s10, $0x1;
	s10 =	sld [smem:$0x3FB9];
	_ =	sdelay $0x3  }
0x37: {  	[smem:$0x3FB9] =	sst s10  }
0x38: {  	s10 =	sld [smem:$0x3FBA]  }
0x39: {  	_ = 	snop;
	(pc) =	sbr.ind lr, $3  }
0x3a: {  	_ = 	snop  }
0x3b: {  	_ = 	snop  }
0x3c: {  	p2 =	seq.s32 s10, $0x1;
	s10 =	sld [smem:$0x3FB9]  }
0x3d: {  	_ =	shalt  }
0x3e: {  	_ =	shalt  }
0x3f: {  	_ =	shalt  }
0x40: {  	_ =	shalt  }
0x41: {  	_ =	shalt  }
0x42: {  	_ =	shalt  }
0x43: {  	_ =	shalt  }
0x44: {  	_ =	shalt  }
0x45: {  	_ =	shalt  }
0x46: {  	_ =	shalt  }
0x47: {  	_ =	shalt  }
0x48: {  	_ =	shalt  }
0x49: {  	_ =	shalt  }
0x4a: {  	_ =	shalt  }
0x4b: {  	_ =	shalt  }
0x4c: {  	_ =	shalt  }
0x4d: {  	_ =	shalt  }
0x4e: {  	_ =	shalt  }
0x4f: {  	_ =	shalt  }
0x50: {  	_ =	shalt  }
0x51: {  	_ =	shalt  }
0x52: {  	_ =	shalt  }
0x53: {  	_ =	shalt  }
0x54: {  	_ =	shalt  }
0x55: {  	_ =	shalt  }
0x56: {  	_ =	shalt  }
0x57: {  	_ =	shalt  }
0x58: {  	_ =	shalt  }
0x59: {  	_ =	shalt  }
0x5a: {  	_ =	shalt  }
0x5b: {  	_ =	shalt  }
0x5c: {  	_ =	shalt  }
0x5d: {  	_ =	shalt  }
0x5e: {  	_ =	shalt  }
0x5f: {  	_ =	shalt  }
0x60: {  	_ =	shalt  }
0x61: {  	_ =	shalt  }
0x62: {  	_ =	shalt  }
0x63: {  	_ =	shalt  }
0x64: {  	_ =	shalt  }
0x65: {  	_ =	shalt  }
0x66: {  	_ =	shalt  }
0x67: {  	_ =	shalt  }
0x68: {  	_ =	shalt  }
0x69: {  	_ =	shalt  }
0x6a: {  	_ =	shalt  }
0x6b: {  	_ =	shalt  }
0x6c: {  	_ =	shalt  }
0x6d: {  	_ =	shalt  }
0x6e: {  	_ =	shalt  }
0x6f: {  	_ =	shalt  }
0x70: {  	_ =	shalt  }
0x71: {  	_ =	shalt  }
0x72: {  	_ =	shalt  }
0x73: {  	_ =	shalt  }
0x74: {  	_ =	shalt  }
0x75: {  	_ =	shalt  }
0x76: {  	_ =	shalt  }
0x77: {  	_ =	shalt  }
0x78: {  	_ =	shalt  }
0x79: {  	_ =	shalt  }
0x7a: {  	_ =	shalt  }
0x7b: {  	_ =	shalt  }
0x7c: {  	_ =	shalt  }
0x7d: {  	_ =	shalt  }
0x7e: {  	_ =	shalt  }
0x7f: {  	_ =	shalt  }
0x80: {  	_ =	shalt  }
0x81: {  	_ =	shalt  }
0x82: {  	_ =	shalt  }
0x83: {  	_ =	shalt  }
0x84: {  	_ =	shalt  }
0x85: {  	_ =	shalt  }
0x86: {  	_ =	shalt  }
0x87: {  	_ =	shalt  }
.Lfunc_end0:
.L_simem_size_0:
called_computation_lowered:
.L_overlay_start_0:
0x88: {  	s2 =	sld [smem:$0x3FD9]  }
0x89: {  	s3 =	sld [smem:$0x3FFE];
	_ =	sdelay $0x1  }
0x8a: {  	s1 =	srdreg.scid  }
0x8b: {  	s0 =	sand.u32 $0x1, s1  }
0x8c: {  	s15 =	sshll.u32 s0, $0xA;
	s2 =	sadd.s32 s3, s2  }
0x8d: {  	s2 =	sadd.s32 s2, s15  }
0x8e: {  	[smem:$0x3FC5] =	sst s2  }
0x8f: {  	_ = 	snop  }
0x90: {  	s2 =	sld [smem:$0x3FD0];
	_ =	sdelay $0x2  }
0x91: {  	s4 =	simm.s32 $0xA;
	s5 =	simm.s32 $0x10;
	s16 =	sld [smem:$0x3FC7]  }
0x92: {  	[smem:s5], [sflag:s4] =	dma.local [hbm:s2], $0x1  }
0x93: {  	_ =	swait.eq [sflag:s4], $0x1  }
0x94: {  	[sflag:s4] =	ssyncset.done $0x0  }
0x95: {  	s17 =	sld [smem:$0x10];
	[sflag:s4] =	ssyncadd.s32 $0xFFFFFFFF  }
0x96: {  	s18 =	sld [smem:$0x11];
	(tm) =	ssettm $0x1  }
0x97: {  	s19 =	sld [smem:$0x3FFB];
	_ =	sdelay $0x3  }
0x98: {  	_ =	strace s19  }
0x99: {  	s5 =	sld [smem:$0x3FFC];
	_ =	sdelay $0x3  }
0x9a: {  	_ =	strace s5  }
0x9b: {  	s5 =	sld [smem:$0x3FFD];
	_ =	sdelay $0x3  }
0x9c: {  	_ =	strace s5  }
0x9d: {  	_ =	strace $0x8FFFFFFF  }
0x9e: {  	s20 =	sld [smem:$0x3FDB];
	_ =	sdelay $0x1  }
0x9f: {  	s6 =	simm.s32 $_scs_section_size  }
0xa0: {  	s7 =	simm.s32 $_size__tile_overlayer_lowered;
	s8 =	simm.s32 $_tile_overlayer_lowered  }
0xa1: {  	s23 =	simm.s32 $0x1BFF;
	s22 =	sshll.u32 s8, $0x1;
	s5 =	sadd.s32 s6, s20  }
0xa2: {  	s9 =	simm.s32 $0x0;
	s21 =	sshll.u32 s7, $0x1;
	s7 =	sadd.s32 s22, s5  }
0xa3: {  	[timem:s9], [sflag:s23] =	dma.local [hbm:s7], s21  }
0xa4: {  	_ =	swait.ge [sflag:s23], s21  }
0xa5: {  	s6 =	ssub.s32 $0x0, s21;
	[sflag:s23] =	ssyncset.done $0x0  }
0xa6: {  	[sflag:s23] =	ssyncadd.s32 s6;
	_ =	sdelay $0x1  }
0xa7: {  	s24 =	simm.s32 $0x1B8B  }
0xa8: {  	_ =	swait.ge [sflag:s24], $0x1  }
0xa9: {  	[sflag:s24] =	ssyncset.done $0x0  }
0xaa: {  	s25 =	simm.s32 $0x1B8E;
	[sflag:s24] =	ssyncadd.s32 $0xFFFFFFFF  }
0xab: {  	s26 =	simm.s32 $execute0_lowered;
	[smem:$0x3FD2] =	sst s25  }
0xac: {  	s6 =	sshll.u32 s26, $0x1;
	_ =	strace $0x80000046;
	[dreg:$0x1] =	wrdreg $0xFFFFFFFF  }
0xad: {  	s28 =	simm.s32 $_size_execute0_lowered;
	s5 =	sadd.s32 s5, s6;
	[dreg:$0x0] =	wrdreg $0x0  }
0xae: {  	s6 =	sshll.u32 s28, $0x1;
	[dreg:$0x2] =	wrdreg s5  }
0xaf: {  	[dreg:$0x3] =	wrdreg s6  }
0xb0: {  	[dreg:$0x4] =	wrdreg $0xC0  }
0xb1: {  	_ =	task [dreg:s9], $0x5FFFF  }
0xb2: {  	[dreg:$0x1] =	wrdreg $0xFFFFFFFF  }
0xb3: {  	[dreg:$0x0] =	wrdreg $0x60  }
0xb4: {  	[dreg:$0x2] =	wrdreg s17  }
0xb5: {  	[dreg:$0x3] =	wrdreg s16  }
0xb6: {  	[dreg:$0x4] =	wrdreg s18  }
0xb7: {  	[dreg:$0x5] =	wrdreg $0x9  }
0xb8: {  	_ =	task.clear_ibuf [dreg:s9], $0x6FFFF;
	_ =	strace $0x90000046  }
0xb9: {  	s29 =	simm.s32 $0x9;
	_ =	strace $0x80000048  }
0xba: {  	_ =	swait.ge [sflag:s29], $0x1  }
0xbb: {  	[sflag:s29] =	ssyncadd.s32 $0xFFFFFFFF  }
0xbc: {  	_ =	strace $0x90000048  }
0xbd: {  	_ =	sfence  }
0xbe: {  	s30 =	sld [smem:$0x0];
	_ =	sdelay $0x2  }
0xbf: {  	s31 =	sshll.u32 s1, $0xD;
	s1 =	sshrl.u32 s1, $0x2  }
0xc0: {  	s3 =	sand.u32 $0x4000, s31;
	s1 =	sadd.s32 s1, s30  }
0xc1: {  	s0 =	sor.u32 s3, s0;
	s1 =	sshll.u32 s1, $0x11  }
0xc2: {  	s0 =	sor.u32 s1, s0  }
0xc3: {  	s0 =	sadd.s32 $0x8F2B, s0  }
0xc4: {  	[sflag:s0] =	ssyncadd.remote.s32 $0x1  }
0xc5: {  	_ =	sfence.sel $0xFFFF  }
0xc6: {  	[dreg:$0x0] =	wrdreg $0xFFFFFFFF;
	(pc) =	sbr.abs _section_cstart, $3  }
0xc7: {  	[dreg:$0x1] =	wrdreg $0xFFFFFFFF  }
0xc8: {  	_ =	task.clear_ibuf [dreg:s9], $0x2FFFF;
	_ =	strace $0x9FFFFFFF  }
0xc9: {  	(tm) =	ssettm $0x7FFFFFFF  }
tec
execute0_lowered:
.L_overlay_start_1:
0x0: {  	(tag) =	ssettag $0x1  }
0x1: {  	s7 =	rddreg [dreg:$0x0]  }
0x2: {  	s1 =	rddreg [dreg:$0x1]  }
0x3: {  	s11 =	rddreg [dreg:$0x2];
	s2 =	srdreg.scid  }
0x4: {  	s0 =	rddreg [dreg:$0x3];
	s3 =	simm.s32 $0x0;
	s14 =	simm.s32 $0x80  }
0x5: {  	s15 =	simm.s32 $0x400;
	s16 =	simm.s32 $0x200;
	s17 =	simm.s32 $0x600  }
0x6: {  	s18 =	simm.s32 $0xA00;
	s19 =	simm.s32 $0xE00;
	s20 =	simm.s32 $0x1200  }
0x7: {  	s21 =	simm.s32 $0x1600;
	s22 =	simm.s32 $0x1A00;
	s23 =	simm.s32 $0x1E00  }
0x8: {  	s24 =	simm.s32 $0x0;
	s4 =	sand.u32 $0x1, s2;
	s2 =	stileid.u32  }
0x9: {  	s5 =	ssub.s32 $0x2, s4;
	s8 =	sshll.u32 s2, $0xA;
	s4 =	sshll.u32 s4, $0x6  }
0xa: {  	[smem:$0x7FF] =	sst s3;
	s6 =	sshrl.u32 s5, $0x1;
	s8 =	sor.u32 s4, s8  }
0xb: {  	_ =	strace $0x80000047;
	s12 =	ssub.s32 s5, s6;
	s4 =	sadd.s32 s7, s8  }
0xc: {  	s9 =	sor.u32 $0x10, s8;
	s10 =	sor.u32 $0x20, s8;
	s13 =	sor.u32 $0x30, s8  }
0xd: {  	s8 =	sadd.s32 s11, s8;
	s5 =	sadd.s32 s7, s9;
	s6 =	sadd.s32 s7, s10  }
0xe: {  	s7 =	sadd.s32 s7, s13;
	s9 =	sadd.s32 s11, s9;
	s10 =	sadd.s32 s11, s10  }
0xf: {  	s11 =	sadd.s32 s11, s13;
	s12 =	smax.u32 s12, $0x1;
	s13 =	simm.s32 $0x1  }
.LBB2_1:
0x10: {  	[tilespmem:s3], [sflag:$0x1] =	stream.linear.gather [hbm4b:s1+s3], $0x200, $0x38;
	[tilespmem:$0x2200] =	vst v63  }
0x11: {  	_ =	swait.ge [sflag:s13], $0x200  }
0x12: {  	[sflag:s13] =	ssyncset.done $0x0  }
0x13: {  	[sflag:s13] =	ssyncadd.s32 $0xFFFFFE00  }
0x14: {  	[tilespmem:s16], [sflag:$0x1] =	stream.strided.gather [hbm4b:s4+s14], $0x400, s15, s14, $0x38;
	[tilespmem:$0x2200] =	vst v63  }
0x15: {  	_ =	swait.ge [sflag:s13], $0x400  }
0x16: {  	[sflag:s13] =	ssyncset.done $0x0  }
0x17: {  	[sflag:s13] =	ssyncadd.s32 $0xFFFFFC00  }
0x18: {  	[tilespmem:s17], [sflag:$0x1] =	stream.strided.gather [hbm4b:s5+s14], $0x400, s15, s14, $0x38;
	[tilespmem:$0x2200] =	vst v63  }
0x19: {  	_ =	swait.ge [sflag:s13], $0x400  }
0x1a: {  	[sflag:s13] =	ssyncset.done $0x0  }
0x1b: {  	[sflag:s13] =	ssyncadd.s32 $0xFFFFFC00  }
0x1c: {  	[tilespmem:s18], [sflag:$0x1] =	stream.strided.gather [hbm4b:s6+s14], $0x400, s15, s14, $0x38;
	[tilespmem:$0x2200] =	vst v63  }
0x1d: {  	_ =	swait.ge [sflag:s13], $0x400  }
0x1e: {  	[sflag:s13] =	ssyncset.done $0x0  }
0x1f: {  	[sflag:s13] =	ssyncadd.s32 $0xFFFFFC00  }
0x20: {  	[tilespmem:s19], [sflag:$0x1] =	stream.strided.gather [hbm4b:s7+s14], $0x400, s15, s14, $0x38;
	[tilespmem:$0x2200] =	vst v63  }
0x21: {  	_ =	swait.ge [sflag:s13], $0x400  }
0x22: {  	[sflag:s13] =	ssyncset.done $0x0  }
0x23: {  	s25 =	simm.s32 $0x240;
	[sflag:s13] =	ssyncadd.s32 $0xFFFFFC00  }
0x24: {  	v0 =	vld [tilespmem:s25+$0x30]  }
0x25: {  	v1 =	vld [tilespmem:s25+$0xFFFFFFD0]  }
0x26: {  	v2 =	vld [tilespmem:s25+$0xFFFFFFE0]  }
0x27: {  	v3 =	vld [tilespmem:s25+$0xFFFFFFF0]  }
0x28: {  	v4 =	vld [tilespmem:s25+$0x0]  }
0x29: {  	v6 =	vld [tilespmem:s25+$0x10]  }
0x2a: {  	v7 =	vld [tilespmem:s25+$0x20]  }
0x2b: {  	v8 =	vld [tilespmem:s25+$0xFFFFFFC0]  }
0x2c: {  	v9 =	vld.idx.msk [tilespmem:v0+s3+$0x0], $0xffff  }
0x2d: {  	v10 =	vld.idx.msk [tilespmem:v1+s3+$0x0], $0xffff  }
0x2e: {  	v5 =	vld.idx.msk [tilespmem:v2+s3+$0x0], $0xffff  }
0x2f: {  	v3 =	vld.idx.msk [tilespmem:v3+s3+$0x0], $0xffff  }
0x30: {  	v0 =	vld.idx.msk [tilespmem:v4+s3+$0x0], $0xffff  }
0x31: {  	s25 =	simm.s32 $0x1240;
	v1 =	vld.idx.msk [tilespmem:v6+s3+$0x0], $0xffff  }
0x32: {  	v2 =	vld.idx.msk [tilespmem:v7+s3+$0x0], $0xffff;
	[tilespmem:s25+$0x30] =	vst v9  }
0x33: {  	s26 =	simm.s32 $0x0;
	s28 =	simm.s32 $0x2C0;
	v4 =	vld.idx.msk [tilespmem:v8+s3+$0x0], $0xffff;
	[tilespmem:s25+$0xFFFFFFD0] =	vst v10  }
.LBB2_2:
0x34: {  	v6 =	vld [tilespmem:s28+$0x30];
	s26 =	sadd.s32 $0x80, s26;
	[tilespmem:s25+$0xFFFFFFE0] =	vst v5  }
0x35: {  	v5 =	vld [tilespmem:s28+$0xFFFFFFD0];
	p0 =	slt.u32 s26, $0xF80;
	[tilespmem:s25+$0xFFFFFFF0] =	vst v3  }
0x36: {  	v3 =	vld [tilespmem:s28+$0xFFFFFFE0];
	[tilespmem:s25+$0x0] =	vst v0  }
0x37: {  	v0 =	vld [tilespmem:s28+$0xFFFFFFF0];
	[tilespmem:s25+$0x10] =	vst v1  }
0x38: {  	v1 =	vld [tilespmem:s28+$0x0];
	[tilespmem:s25+$0x20] =	vst v2  }
0x39: {  	v2 =	vld [tilespmem:s28+$0x10];
	[tilespmem:s25+$0xFFFFFFC0] =	vst v4  }
0x3a: {  	v4 =	vld [tilespmem:s28+$0x20]  }
0x3b: {  	v7 =	vld [tilespmem:s28+$0xFFFFFFC0]  }
0x3c: {  	v6 =	vld.idx.msk [tilespmem:v6+s3+$0x0], $0xffff  }
0x3d: {  	v8 =	vld.idx.msk [tilespmem:v5+s3+$0x0], $0xffff  }
0x3e: {  	v5 =	vld.idx.msk [tilespmem:v3+s3+$0x0], $0xffff  }
.Ltmp0:
0x3f: {  	v3 =	vld.idx.msk [tilespmem:v0+s3+$0x0], $0xffff;
	(pc) =	sbr.rel @p0 .LBB2_2-.Ltmp0, $4  }
0x40: {  	v0 =	vld.idx.msk [tilespmem:v1+s3+$0x0], $0xffff  }
0x41: {  	s25 =	sadd.s32 $0x80, s25;
	v1 =	vld.idx.msk [tilespmem:v2+s3+$0x0], $0xffff  }
0x42: {  	v2 =	vld.idx.msk [tilespmem:v4+s3+$0x0], $0xffff;
	[tilespmem:s25+$0x30] =	vst v6  }
0x43: {  	s28 =	sadd.s32 $0x80, s28;
	v4 =	vld.idx.msk [tilespmem:v7+s3+$0x0], $0xffff;
	[tilespmem:s25+$0xFFFFFFD0] =	vst v8  }
0x44: {  	[tilespmem:s25+$0xFFFFFFE0] =	vst v5  }
0x45: {  	[tilespmem:s25+$0xFFFFFFF0] =	vst v3  }
0x46: {  	[tilespmem:s25+$0x0] =	vst v0  }
0x47: {  	[tilespmem:s25+$0x10] =	vst v1  }
0x48: {  	[tilespmem:s25+$0x20] =	vst v2  }
0x49: {  	[tilespmem:s25+$0xFFFFFFC0] =	vst v4  }
0x4a: {  	[hbm4b:s8+s14] =	stream.strided.scatter [tilespmem:s20], [sflag:$0x1], $0x400, s15, s14, $0x38;
	[tilespmem:$0x2200] =	vst v63  }
0x4b: {  	_ =	swait.ge [sflag:s13], $0x400  }
0x4c: {  	[sflag:s13] =	ssyncset.done $0x0  }
0x4d: {  	[sflag:s13] =	ssyncadd.s32 $0xFFFFFC00  }
0x4e: {  	[hbm4b:s9+s14] =	stream.strided.scatter [tilespmem:s21], [sflag:$0x1], $0x400, s15, s14, $0x38;
	[tilespmem:$0x2200] =	vst v63  }
0x4f: {  	_ =	swait.ge [sflag:s13], $0x400  }
0x50: {  	[sflag:s13] =	ssyncset.done $0x0  }
0x51: {  	[sflag:s13] =	ssyncadd.s32 $0xFFFFFC00  }
0x52: {  	[hbm4b:s10+s14] =	stream.strided.scatter [tilespmem:s22], [sflag:$0x1], $0x400, s15, s14, $0x38;
	[tilespmem:$0x2200] =	vst v63  }
0x53: {  	s24 =	sadd.s32 $0x1, s24;
	_ =	swait.ge [sflag:s13], $0x400  }
0x54: {  	p0 =	sne.s32 s24, s12;
	[sflag:s13] =	ssyncset.done $0x0  }
.Ltmp1:
0x55: {  	[sflag:s13] =	ssyncadd.s32 $0xFFFFFC00;
	(pc) =	sbr.rel @p0 .LBB2_1-.Ltmp1, $4  }
0x56: {  	[hbm4b:s11+s14] =	stream.strided.scatter [tilespmem:s23], [sflag:$0x1], $0x400, s15, s14, $0x38;
	[tilespmem:$0x2200] =	vst v63  }
0x57: {  	_ =	swait.ge [sflag:s13], $0x400  }
0x58: {  	[sflag:s13] =	ssyncset.done $0x0  }
0x59: {  	[sflag:s13] =	ssyncadd.s32 $0xFFFFFC00  }
0x5a: {  	_ =	sfence.sel $0x180000  }
0x5b: {  	[bflag:$0x0] =	sbarrier.arrive $0xFFFF  }
0x5c: {  	p0 =	sne.s32 s2, $0x0;
	_ =	strace $0x90000047  }
0x5d: {  	s0 =	sadd.s32 @!p0 $0x100000, s0;
	[bflag:$0x2] =	sbarrier.arrive $0xFFFF  }
0x5e: {  	[sflag:s0] =	ssyncadd.tile.s32 @!p0 $0x1;
	_ =	shalt  }
.Lfunc_end2:
_tile_overlayer_lowered:
.L_overlay_start_2:
0x5f: {  	(tag) =	ssettag $0x2  }
0x60: {  	s0 =	rddreg [dreg:$0x0];
	s2 =	stileid.u32  }
0x61: {  	s1 =	rddreg [dreg:$0x1];
	p0 =	sne.s32 s2, $0x0  }
0x62: {  	s3 =	rddreg [dreg:$0x2];
	[bflag:$0x3] =	sbarrier.arrive $0xFFFF;
	s2 =	simm.s32 @!p0 $0x1C01  }
0x63: {  	[timem:s3], [sflag:s2] =	dma.local @!p0 [hbm:s0], s1  }
0x64: {  	s0 =	simm.s32 @!p0 $0x1  }
0x65: {  	_ =	swait.ge @!p0 [sflag:s0], s1  }
0x66: {  	s1 =	ssub.s32 @!p0 $0x0, s1;
	[sflag:s0] =	ssyncset.done @!p0 $0x0  }
0x67: {  	[sflag:s0] =	ssyncadd.s32 @!p0 s1  }
0x68: {  	[bflag:$0x3] =	sbarrier.arrive $0xFFFF  }
0x69: {  	_ =	shalt  }

</sc_bundles>
